<compile_context>
chip_gen: v7x
topology: tpu7x:2x2x1
jax: 0.10.2.dev20260603
libtpu: 0.0.44.dev20260713+nightly
codegen_flags: <defaults>
</compile_context>

<pallas_src>
import functools

import jax
import jax.numpy as jnp
from jax import lax
from jax.experimental import pallas as pl
from jax.experimental.pallas import tpu as pltpu
from jax.experimental.pallas import tpu_sc as plsc

B = 16384
DIM = 16
CITY_ROWS = 1000000
SC_TS = (0, 3)
TINY_TS = (1, 2, 5, 6, 7, 8, 9)
TINY_SIZES = (7, 2, 10, 10, 10, 10, 10)
NSC = len(SC_TS)

_NC = 2
_NS = 16
_NW = _NC * _NS
_RPW = B // _NW


@functools.cache
def _make_sc_a():
    mesh = plsc.VectorSubcoreMesh(core_axis_name="c", subcore_axis_name="s")
    return functools.partial(
        pl.kernel,
        mesh=mesh,
        compiler_params=pltpu.CompilerParams(use_tc_tiling_on_sc=False),
        out_type=jax.ShapeDtypeStruct((B, NSC * DIM), jnp.float32),
        scratch_types=[
            pltpu.VMEM((NSC, _RPW), jnp.int32),
            [pltpu.VMEM((_RPW, DIM), jnp.float32)] * NSC,
            [pltpu.SemaphoreType.DMA] * NSC,
            [pltpu.SemaphoreType.DMA] * NSC,
        ],
    )(_sc_a_body)


def _sc_a_body(t0, t3, idx_hbm, out_hbm, idx_v, bufs, gsems, wsems):
    tables = (t0, t3)
    wid = lax.axis_index("s") * _NC + lax.axis_index("c")
    base = wid * _RPW
    pltpu.sync_copy(idx_hbm.at[:, pl.ds(base, _RPW)], idx_v)
    gcps = [pltpu.async_copy(tables[k].at[idx_v.at[k]], bufs[k], gsems[k])
            for k in range(NSC)]
    wcps = []
    for k in range(NSC):
        gcps[k].wait()
        wcps.append(pltpu.async_copy(
            bufs[k], out_hbm.at[pl.ds(base, _RPW), pl.ds(k * DIM, DIM)],
            wsems[k]))
    for cp in wcps:
        cp.wait()


@functools.cache
def _make_city_gather():
    mesh = plsc.VectorSubcoreMesh(core_axis_name="c", subcore_axis_name="s")
    return functools.partial(
        pl.kernel,
        mesh=mesh,
        compiler_params=pltpu.CompilerParams(use_tc_tiling_on_sc=False),
        out_type=jax.ShapeDtypeStruct((B, 128), jnp.float32),
        scratch_types=[
            pltpu.VMEM((_RPW,), jnp.int32),
            pltpu.VMEM((_RPW, 128), jnp.float32),
            pltpu.SemaphoreType.DMA,
        ],
    )(_city_gather_body)


def _city_gather_body(city_hbm, idx_hbm, out_hbm, idx_v, rows_v, sem):
    wid = lax.axis_index("s") * _NC + lax.axis_index("c")
    base = wid * _RPW
    pltpu.sync_copy(idx_hbm.at[pl.ds(base, _RPW)], idx_v)
    pltpu.async_copy(city_hbm.at[idx_v], rows_v, sem).wait()
    pltpu.sync_copy(rows_v, out_hbm.at[pl.ds(base, _RPW), :])


_DCB = 16384


def _detile_body(x_ref, o_ref):
    x2 = x_ref[...].reshape(DIM, _DCB)
    xt = x2.T
    o_ref[...] = jnp.concatenate(
        [xt, jnp.zeros((_DCB, 128 - DIM), jnp.float32)], axis=1)


def _detile_city(city3):
    grid = ((CITY_ROWS + _DCB - 1) // _DCB,)
    return pl.pallas_call(
        _detile_body,
        grid=grid,
        in_specs=[pl.BlockSpec((2, 8, _DCB), lambda i: (0, 0, i))],
        out_specs=pl.BlockSpec((_DCB, 128), lambda i: (i, 0)),
        out_shape=jax.ShapeDtypeStruct((CITY_ROWS, 128), jnp.float32),
    )(city3)


def _mlp_body(a_ref, y_ref, ti_ref, l_ref, c_ref,
              tb1, tb2, tb5, tb6, tb7, tb8, tb9,
              w1_ref, b1_ref, w2_ref, b2_ref, o_ref):
    tiny_tbls = (tb1, tb2, tb5, tb6, tb7, tb8, tb9)
    ohs = []
    for k, s in enumerate(TINY_SIZES):
        idx_col = ti_ref[:, k:k + 1]
        iota_row = lax.broadcasted_iota(jnp.int32, (1, s), 1)
        oh = (idx_col == iota_row).astype(jnp.float32)
        ohs.append(jnp.dot(oh, tiny_tbls[k][...],
                           preferred_element_type=jnp.float32))
    x = jnp.concatenate(
        [a_ref[:, :DIM], ohs[0], ohs[1], a_ref[:, DIM:], y_ref[:, :DIM],
         ohs[2], ohs[3], ohs[4], ohs[5], ohs[6], l_ref[...], c_ref[...]],
        axis=1)
    h = jnp.dot(x, w1_ref[...], preferred_element_type=jnp.float32)
    h = jnp.maximum(h + b1_ref[...], 0.0)
    o = jnp.dot(h, w2_ref[...], preferred_element_type=jnp.float32)
    o_ref[...] = jnp.maximum(o + b2_ref[...], 0.0)


def _mlp(a, city, tiny_idx, logistic, cnn_rnn, tiny_tbls, w1, b1, w2, b2,
         block_m=2048):
    grid = (B // block_m,)
    kin = w1.shape[0]
    return pl.pallas_call(
        _mlp_body,
        grid=grid,
        in_specs=[
            pl.BlockSpec((block_m, NSC * DIM), lambda i: (i, 0)),
            pl.BlockSpec((block_m, 128), lambda i: (i, 0)),
            pl.BlockSpec((block_m, 8), lambda i: (i, 0)),
            pl.BlockSpec((block_m, 56), lambda i: (i, 0)),
            pl.BlockSpec((block_m, 32), lambda i: (i, 0)),
        ] + [
            pl.BlockSpec((s, DIM), lambda i: (0, 0)) for s in TINY_SIZES
        ] + [
            pl.BlockSpec((kin, 256), lambda i: (0, 0)),
            pl.BlockSpec((1, 256), lambda i: (0, 0)),
            pl.BlockSpec((256, 256), lambda i: (0, 0)),
            pl.BlockSpec((1, 256), lambda i: (0, 0)),
        ],
        out_specs=pl.BlockSpec((block_m, 256), lambda i: (i, 0)),
        out_shape=jax.ShapeDtypeStruct((B, 256), jnp.float32),
    )(a, city, tiny_idx, logistic, cnn_rnn, *tiny_tbls, w1, b1, w2, b2)


def kernel(categ_distance_class, categ_weekday_class, categ_if_busytime_class,
           categ_slice_id_class, categ_city_class, categ_day_before2_type_class,
           categ_day_before1_type_class, categ_day_type_class,
           categ_day_after1_type_class, categ_day_after2_type_class,
           emb_distance_class, emb_weekday_class, emb_if_busytime_class,
           emb_slice_id_class, emb_city_class, emb_day_before2_type_class,
           emb_day_before1_type_class, emb_day_type_class,
           emb_day_after1_type_class, emb_day_after2_type_class,
           logistic, cnn_rnn, W1, b1, W2, b2):
    categs = (categ_distance_class, categ_weekday_class,
              categ_if_busytime_class, categ_slice_id_class, categ_city_class,
              categ_day_before2_type_class, categ_day_before1_type_class,
              categ_day_type_class, categ_day_after1_type_class,
              categ_day_after2_type_class)
    tables = (emb_distance_class, emb_weekday_class, emb_if_busytime_class,
              emb_slice_id_class, emb_city_class, emb_day_before2_type_class,
              emb_day_before1_type_class, emb_day_type_class,
              emb_day_after1_type_class, emb_day_after2_type_class)
    idx_sc = jnp.stack([categs[t].astype(jnp.int32) for t in SC_TS])
    a = _make_sc_a()(*[tables[t] for t in SC_TS], idx_sc)
    city3 = emb_city_class.T.reshape(2, 8, CITY_ROWS)
    city2d = _detile_city(city3)
    city = _make_city_gather()(city2d, categs[4].astype(jnp.int32))
    tiny_idx = jnp.stack(
        [categs[t].astype(jnp.int32) for t in TINY_TS]
        + [jnp.zeros((B,), jnp.int32)], axis=1)
    return _mlp(a, city, tiny_idx, logistic, cnn_rnn,
                [tables[t] for t in TINY_TS],
                W1, b1.reshape(1, 256), W2, b2.reshape(1, 256))

# --- scband reference (transcript-rebuilt; emitter-appended) ---
"""Pipeline reference for scband-wide-8323646620589 (READ-ONLY COPY).

The authoritative reference and input builder live on the scoring server;
editing this copy changes nothing except your own understanding.
"""

import jax, jax.numpy as jnp
import numpy as np

NAMES = ["distance_class", "weekday_class", "if_busytime_class", "slice_id_class", "city_class", "day_before2_type_class", "day_before1_type_class", "day_type_class", "day_after1_type_class", "day_after2_type_class"]
SIZES = [1000, 7, 2, 288, 1000000, 10, 10, 10, 10, 10]
DIM = 16
B = 16384


def setup_inputs(seed: int = 0) -> dict:
    key = jax.random.key(seed)
    ks = jax.random.split(key, 26)
    inp = {}
    for i, (n, s) in enumerate(zip(NAMES, SIZES)):
        inp["categ_%s" % n] = jax.random.randint(ks[i], (B,), 0, s)
    for i, (n, s) in enumerate(zip(NAMES, SIZES)):
        inp["emb_%s" % n] = jax.random.uniform(ks[10 + i], (s, DIM), dtype=jnp.float32)
    inp["logistic"] = jax.random.normal(ks[20], (B, 56), dtype=jnp.float32)
    inp["cnn_rnn"] = jax.random.normal(ks[21], (B, 32), dtype=jnp.float32)
    inp["W1"] = jax.random.normal(ks[22], (DIM * 10 + 56 + 32, 256), dtype=jnp.float32) * 0.05
    inp["b1"] = jnp.zeros((256,), dtype=jnp.float32)
    inp["W2"] = jax.random.normal(ks[23], (256, 256), dtype=jnp.float32) * 0.05
    inp["b2"] = jnp.zeros((256,), dtype=jnp.float32)
    return inp


def reference(
    categ_distance_class,
    categ_weekday_class,
    categ_if_busytime_class,
    categ_slice_id_class,
    categ_city_class,
    categ_day_before2_type_class,
    categ_day_before1_type_class,
    categ_day_type_class,
    categ_day_after1_type_class,
    categ_day_after2_type_class,
    emb_distance_class,
    emb_weekday_class,
    emb_if_busytime_class,
    emb_slice_id_class,
    emb_city_class,
    emb_day_before2_type_class,
    emb_day_before1_type_class,
    emb_day_type_class,
    emb_day_after1_type_class,
    emb_day_after2_type_class,
    logistic,
    cnn_rnn,
    W1,
    b1,
    W2,
    b2,
):
    kw = dict(locals())
    # one embedding lookup per sparse field, then flatten([B, DIM]) is a no-op
    feats = [jnp.take(kw["emb_%s" % n], kw["categ_%s" % n], axis=0) for n in NAMES]
    sparse_feature = jnp.concatenate(feats, axis=-1)
    x = jnp.concatenate([sparse_feature, kw["logistic"], kw["cnn_rnn"]], axis=1)
    h = jax.nn.relu(x @ kw["W1"] + kw["b1"])
    out = jax.nn.relu(h @ kw["W2"] + kw["b2"])
    return out

if __name__ == "__main__":
    import jax
    _d = setup_inputs()
    print(jax.jit(kernel)(*tuple(_d.values())))

</pallas_src>

<mosaic_0001>
#map = affine_map<(d0, d1) -> (0, 0)>
module attributes {stable_mosaic.version = 14 : i64} {
  func.func @_sc_a_body(%arg0: i32, %arg1: i32, %arg2: memref<1000x16xf32, #tpu.memory_space<hbm>>, %arg3: memref<288x16xf32, #tpu.memory_space<hbm>>, %arg4: memref<2x16384xi32, #tpu.memory_space<hbm>>, %arg5: memref<16384x32xf32, #tpu.memory_space<hbm>>, %arg6: memref<2x512xi32, #tpu.memory_space<vmem>>, %arg7: memref<512x16xf32, #tpu.memory_space<vmem>>, %arg8: memref<512x16xf32, #tpu.memory_space<vmem>>, %arg9: memref<!tpu.dma_semaphore, #tpu.memory_space<semaphore_mem>>, %arg10: memref<!tpu.dma_semaphore, #tpu.memory_space<semaphore_mem>>, %arg11: memref<!tpu.dma_semaphore, #tpu.memory_space<semaphore_mem>>, %arg12: memref<!tpu.dma_semaphore, #tpu.memory_space<semaphore_mem>>) attributes {dimension_semantics = [#tpu.dimension_semantics<core_parallel>, #tpu.dimension_semantics<subcore_parallel>], iteration_bounds = array<i64: 2, 16>, scalar_prefetch = 0 : i64, scratch_operands = 7 : i64, tpu.core_type = #tpu.core_type<sc_vector_subcore>, window_params = [{transform_indices = #map}, {transform_indices = #map}, {transform_indices = #map}, {transform_indices = #map}]} {
    %mul3A = arith.constant 2 : i32
    %mul3A_0 = arith.muli %arg1, %mul3A : i32
    %add3A = arith.addi %mul3A_0, %arg0 : i32
    %mul3A_1 = arith.constant 512 : i32
    %mul3A_2 = arith.muli %add3A, %mul3A_1 : i32
    "tpu.region"() ({
      %run_scoped3A = tpu.sem_alloc : memref<!tpu.dma_semaphore, #tpu.memory_space<semaphore_mem>>
      %dma_start3A_45 = arith.constant 0 : i32
      %dma_start3A_46 = tpu.memref_slice %arg4[%dma_start3A_45, %mul3A_2] : memref<2x16384xi32, #tpu.memory_space<hbm>> -> memref<2x512xi32, #tpu.memory_space<hbm>>
      %dma_start3A_47 = arith.constant 0 : i32
      %dma_start3A_48 = tpu.memref_slice %arg4[%dma_start3A_47, %mul3A_2] : memref<2x16384xi32, #tpu.memory_space<hbm>> -> memref<2x512xi32, #tpu.memory_space<hbm>>
      tpu.enqueue_dma source(%dma_start3A_48 : memref<2x512xi32, #tpu.memory_space<hbm>>) target(%arg6 : memref<2x512xi32, #tpu.memory_space<vmem>>) target_semaphore(%run_scoped3A : memref<!tpu.dma_semaphore, #tpu.memory_space<semaphore_mem>>)
      %dma_wait3A_49 = arith.constant 0 : i32
      %dma_wait3A_50 = tpu.memref_slice %arg4[%dma_wait3A_49, %mul3A_2] : memref<2x16384xi32, #tpu.memory_space<hbm>> -> memref<2x512xi32, #tpu.memory_space<hbm>>
      %dma_wait3A_51 = arith.constant 0 : i32
      %dma_wait3A_52 = tpu.memref_slice %arg4[%dma_wait3A_51, %mul3A_2] : memref<2x16384xi32, #tpu.memory_space<hbm>> -> memref<2x512xi32, #tpu.memory_space<hbm>>
      tpu.wait_dma2 semaphore(%run_scoped3A : memref<!tpu.dma_semaphore, #tpu.memory_space<semaphore_mem>>) src(%dma_wait3A_52 : memref<2x512xi32, #tpu.memory_space<hbm>>) dst(%arg6 : memref<2x512xi32, #tpu.memory_space<vmem>>)
      tpu.yield
    }) : () -> ()
    %dma_start3A = arith.constant 0 : i32
    %dma_start3A_3 = arith.constant 0 : i32
    %dma_start3A_4 = tpu.memref_slice %arg6[%dma_start3A, %dma_start3A_3] : memref<2x512xi32, #tpu.memory_space<vmem>> -> memref<1x512xi32, #tpu.memory_space<vmem>>
    %dma_start3A_5 = tpu.memref_squeeze %dma_start3A_4 : memref<1x512xi32, #tpu.memory_space<vmem>> -> memref<512xi32, #tpu.memory_space<vmem>>
    %dma_start3A_6 = arith.constant 0 : i32
    %dma_start3A_7 = arith.constant 0 : i32
    %dma_start3A_8 = tpu.memref_slice %arg2[%dma_start3A_6, %dma_start3A_7] : memref<1000x16xf32, #tpu.memory_space<hbm>> -> memref<1000x16xf32, #tpu.memory_space<hbm>>
    tpu.enqueue_indirect_dma source(%dma_start3A_8 : memref<1000x16xf32, #tpu.memory_space<hbm>>) target(%arg7 : memref<512x16xf32, #tpu.memory_space<vmem>>) offsets(%dma_start3A_5 : memref<512xi32, #tpu.memory_space<vmem>>) semaphore(%arg9 : memref<!tpu.dma_semaphore, #tpu.memory_space<semaphore_mem>>)
    %dma_start3A_9 = arith.constant 1 : i32
    %dma_start3A_10 = arith.constant 0 : i32
    %dma_start3A_11 = tpu.memref_slice %arg6[%dma_start3A_9, %dma_start3A_10] : memref<2x512xi32, #tpu.memory_space<vmem>> -> memref<1x512xi32, #tpu.memory_space<vmem>>
    %dma_start3A_12 = tpu.memref_squeeze %dma_start3A_11 : memref<1x512xi32, #tpu.memory_space<vmem>> -> memref<512xi32, #tpu.memory_space<vmem>>
    %dma_start3A_13 = arith.constant 0 : i32
    %dma_start3A_14 = arith.constant 0 : i32
    %dma_start3A_15 = tpu.memref_slice %arg3[%dma_start3A_13, %dma_start3A_14] : memref<288x16xf32, #tpu.memory_space<hbm>> -> memref<288x16xf32, #tpu.memory_space<hbm>>
    tpu.enqueue_indirect_dma source(%dma_start3A_15 : memref<288x16xf32, #tpu.memory_space<hbm>>) target(%arg8 : memref<512x16xf32, #tpu.memory_space<vmem>>) offsets(%dma_start3A_12 : memref<512xi32, #tpu.memory_space<vmem>>) semaphore(%arg10 : memref<!tpu.dma_semaphore, #tpu.memory_space<semaphore_mem>>)
    %dma_wait3A = arith.constant 0 : i32
    %dma_wait3A_16 = arith.constant 0 : i32
    %dma_wait3A_17 = tpu.memref_slice %arg6[%dma_wait3A, %dma_wait3A_16] : memref<2x512xi32, #tpu.memory_space<vmem>> -> memref<1x512xi32, #tpu.memory_space<vmem>>
    %dma_wait3A_18 = tpu.memref_squeeze %dma_wait3A_17 : memref<1x512xi32, #tpu.memory_space<vmem>> -> memref<512xi32, #tpu.memory_space<vmem>>
    %dma_wait3A_19 = arith.constant 0 : i32
    %dma_wait3A_20 = arith.constant 0 : i32
    %dma_wait3A_21 = tpu.memref_slice %arg2[%dma_wait3A_19, %dma_wait3A_20] : memref<1000x16xf32, #tpu.memory_space<hbm>> -> memref<1000x16xf32, #tpu.memory_space<hbm>>
    tpu.wait_indirect_dma semaphore(%arg9 : memref<!tpu.dma_semaphore, #tpu.memory_space<semaphore_mem>>) src(%dma_wait3A_21 : memref<1000x16xf32, #tpu.memory_space<hbm>>) dst(%arg7 : memref<512x16xf32, #tpu.memory_space<vmem>>)
    %dma_start3A_22 = arith.constant 0 : i32
    %dma_start3A_23 = tpu.memref_slice %arg5[%mul3A_2, %dma_start3A_22] : memref<16384x32xf32, #tpu.memory_space<hbm>> -> memref<512x16xf32, #tpu.memory_space<hbm>>
    %dma_start3A_24 = arith.constant 0 : i32
    %dma_start3A_25 = tpu.memref_slice %arg5[%mul3A_2, %dma_start3A_24] : memref<16384x32xf32, #tpu.memory_space<hbm>> -> memref<512x16xf32, #tpu.memory_space<hbm>>
    tpu.enqueue_dma source(%arg7 : memref<512x16xf32, #tpu.memory_space<vmem>>) target(%dma_start3A_25 : memref<512x16xf32, #tpu.memory_space<hbm>>) target_semaphore(%arg11 : memref<!tpu.dma_semaphore, #tpu.memory_space<semaphore_mem>>)
    %dma_wait3A_26 = arith.constant 1 : i32
    %dma_wait3A_27 = arith.constant 0 : i32
    %dma_wait3A_28 = tpu.memref_slice %arg6[%dma_wait3A_26, %dma_wait3A_27] : memref<2x512xi32, #tpu.memory_space<vmem>> -> memref<1x512xi32, #tpu.memory_space<vmem>>
    %dma_wait3A_29 = tpu.memref_squeeze %dma_wait3A_28 : memref<1x512xi32, #tpu.memory_space<vmem>> -> memref<512xi32, #tpu.memory_space<vmem>>
    %dma_wait3A_30 = arith.constant 0 : i32
    %dma_wait3A_31 = arith.constant 0 : i32
    %dma_wait3A_32 = tpu.memref_slice %arg3[%dma_wait3A_30, %dma_wait3A_31] : memref<288x16xf32, #tpu.memory_space<hbm>> -> memref<288x16xf32, #tpu.memory_space<hbm>>
    tpu.wait_indirect_dma semaphore(%arg10 : memref<!tpu.dma_semaphore, #tpu.memory_space<semaphore_mem>>) src(%dma_wait3A_32 : memref<288x16xf32, #tpu.memory_space<hbm>>) dst(%arg8 : memref<512x16xf32, #tpu.memory_space<vmem>>)
    %dma_start3A_33 = arith.constant 16 : i32
    %dma_start3A_34 = tpu.memref_slice %arg5[%mul3A_2, %dma_start3A_33] : memref<16384x32xf32, #tpu.memory_space<hbm>> -> memref<512x16xf32, #tpu.memory_space<hbm>>
    %dma_start3A_35 = arith.constant 16 : i32
    %dma_start3A_36 = tpu.memref_slice %arg5[%mul3A_2, %dma_start3A_35] : memref<16384x32xf32, #tpu.memory_space<hbm>> -> memref<512x16xf32, #tpu.memory_space<hbm>>
    tpu.enqueue_dma source(%arg8 : memref<512x16xf32, #tpu.memory_space<vmem>>) target(%dma_start3A_36 : memref<512x16xf32, #tpu.memory_space<hbm>>) target_semaphore(%arg12 : memref<!tpu.dma_semaphore, #tpu.memory_space<semaphore_mem>>)
    %dma_wait3A_37 = arith.constant 0 : i32
    %dma_wait3A_38 = tpu.memref_slice %arg5[%mul3A_2, %dma_wait3A_37] : memref<16384x32xf32, #tpu.memory_space<hbm>> -> memref<512x16xf32, #tpu.memory_space<hbm>>
    %dma_wait3A_39 = arith.constant 0 : i32
    %dma_wait3A_40 = tpu.memref_slice %arg5[%mul3A_2, %dma_wait3A_39] : memref<16384x32xf32, #tpu.memory_space<hbm>> -> memref<512x16xf32, #tpu.memory_space<hbm>>
    tpu.wait_dma2 semaphore(%arg11 : memref<!tpu.dma_semaphore, #tpu.memory_space<semaphore_mem>>) src(%arg7 : memref<512x16xf32, #tpu.memory_space<vmem>>) dst(%dma_wait3A_40 : memref<512x16xf32, #tpu.memory_space<hbm>>)
    %dma_wait3A_41 = arith.constant 16 : i32
    %dma_wait3A_42 = tpu.memref_slice %arg5[%mul3A_2, %dma_wait3A_41] : memref<16384x32xf32, #tpu.memory_space<hbm>> -> memref<512x16xf32, #tpu.memory_space<hbm>>
    %dma_wait3A_43 = arith.constant 16 : i32
    %dma_wait3A_44 = tpu.memref_slice %arg5[%mul3A_2, %dma_wait3A_43] : memref<16384x32xf32, #tpu.memory_space<hbm>> -> memref<512x16xf32, #tpu.memory_space<hbm>>
    tpu.wait_dma2 semaphore(%arg12 : memref<!tpu.dma_semaphore, #tpu.memory_space<semaphore_mem>>) src(%arg8 : memref<512x16xf32, #tpu.memory_space<vmem>>) dst(%dma_wait3A_44 : memref<512x16xf32, #tpu.memory_space<hbm>>)
    return
  }
}

#map = affine_map<(d0, d1) -> (0, 0)>
#map1 = affine_map<(d0, d1) -> (0)>
module attributes {stable_mosaic.version = 14 : i64} {
  func.func @_city_gather_body(%arg0: i32, %arg1: i32, %arg2: memref<1000000x128xf32, #tpu.memory_space<hbm>>, %arg3: memref<16384xi32, #tpu.memory_space<hbm>>, %arg4: memref<16384x128xf32, #tpu.memory_space<hbm>>, %arg5: memref<512xi32, #tpu.memory_space<vmem>>, %arg6: memref<512x128xf32, #tpu.memory_space<vmem>>, %arg7: memref<!tpu.dma_semaphore, #tpu.memory_space<semaphore_mem>>) attributes {dimension_semantics = [#tpu.dimension_semantics<core_parallel>, #tpu.dimension_semantics<subcore_parallel>], iteration_bounds = array<i64: 2, 16>, scalar_prefetch = 0 : i64, scratch_operands = 3 : i64, tpu.core_type = #tpu.core_type<sc_vector_subcore>, window_params = [{transform_indices = #map}, {transform_indices = #map1}, {transform_indices = #map}]} {
    %mul3A = arith.constant 2 : i32
    %mul3A_0 = arith.muli %arg1, %mul3A : i32
    %add3A = arith.addi %mul3A_0, %arg0 : i32
    %mul3A_1 = arith.constant 512 : i32
    %mul3A_2 = arith.muli %add3A, %mul3A_1 : i32
    "tpu.region"() ({
      %run_scoped3A = tpu.sem_alloc : memref<!tpu.dma_semaphore, #tpu.memory_space<semaphore_mem>>
      %dma_start3A_7 = tpu.memref_slice %arg3[%mul3A_2] : memref<16384xi32, #tpu.memory_space<hbm>> -> memref<512xi32, #tpu.memory_space<hbm>>
      %dma_start3A_8 = tpu.memref_slice %arg3[%mul3A_2] : memref<16384xi32, #tpu.memory_space<hbm>> -> memref<512xi32, #tpu.memory_space<hbm>>
      tpu.enqueue_dma source(%dma_start3A_8 : memref<512xi32, #tpu.memory_space<hbm>>) target(%arg5 : memref<512xi32, #tpu.memory_space<vmem>>) target_semaphore(%run_scoped3A : memref<!tpu.dma_semaphore, #tpu.memory_space<semaphore_mem>>)
      %dma_wait3A_9 = tpu.memref_slice %arg3[%mul3A_2] : memref<16384xi32, #tpu.memory_space<hbm>> -> memref<512xi32, #tpu.memory_space<hbm>>
      %dma_wait3A_10 = tpu.memref_slice %arg3[%mul3A_2] : memref<16384xi32, #tpu.memory_space<hbm>> -> memref<512xi32, #tpu.memory_space<hbm>>
      tpu.wait_dma2 semaphore(%run_scoped3A : memref<!tpu.dma_semaphore, #tpu.memory_space<semaphore_mem>>) src(%dma_wait3A_10 : memref<512xi32, #tpu.memory_space<hbm>>) dst(%arg5 : memref<512xi32, #tpu.memory_space<vmem>>)
      tpu.yield
    }) : () -> ()
    %dma_start3A = arith.constant 0 : i32
    %dma_start3A_3 = arith.constant 0 : i32
    %dma_start3A_4 = tpu.memref_slice %arg2[%dma_start3A, %dma_start3A_3] : memref<1000000x128xf32, #tpu.memory_space<hbm>> -> memref<1000000x128xf32, #tpu.memory_space<hbm>>
    tpu.enqueue_indirect_dma source(%dma_start3A_4 : memref<1000000x128xf32, #tpu.memory_space<hbm>>) target(%arg6 : memref<512x128xf32, #tpu.memory_space<vmem>>) offsets(%arg5 : memref<512xi32, #tpu.memory_space<vmem>>) semaphore(%arg7 : memref<!tpu.dma_semaphore, #tpu.memory_space<semaphore_mem>>)
    %dma_wait3A = arith.constant 0 : i32
    %dma_wait3A_5 = arith.constant 0 : i32
    %dma_wait3A_6 = tpu.memref_slice %arg2[%dma_wait3A, %dma_wait3A_5] : memref<1000000x128xf32, #tpu.memory_space<hbm>> -> memref<1000000x128xf32, #tpu.memory_space<hbm>>
    tpu.wait_indirect_dma semaphore(%arg7 : memref<!tpu.dma_semaphore, #tpu.memory_space<semaphore_mem>>) src(%dma_wait3A_6 : memref<1000000x128xf32, #tpu.memory_space<hbm>>) dst(%arg6 : memref<512x128xf32, #tpu.memory_space<vmem>>)
    "tpu.region"() ({
      %run_scoped3A = tpu.sem_alloc : memref<!tpu.dma_semaphore, #tpu.memory_space<semaphore_mem>>
      %dma_start3A_7 = arith.constant 0 : i32
      %dma_start3A_8 = tpu.memref_slice %arg4[%mul3A_2, %dma_start3A_7] : memref<16384x128xf32, #tpu.memory_space<hbm>> -> memref<512x128xf32, #tpu.memory_space<hbm>>
      %dma_start3A_9 = arith.constant 0 : i32
      %dma_start3A_10 = tpu.memref_slice %arg4[%mul3A_2, %dma_start3A_9] : memref<16384x128xf32, #tpu.memory_space<hbm>> -> memref<512x128xf32, #tpu.memory_space<hbm>>
      tpu.enqueue_dma source(%arg6 : memref<512x128xf32, #tpu.memory_space<vmem>>) target(%dma_start3A_10 : memref<512x128xf32, #tpu.memory_space<hbm>>) target_semaphore(%run_scoped3A : memref<!tpu.dma_semaphore, #tpu.memory_space<semaphore_mem>>)
      %dma_wait3A_11 = arith.constant 0 : i32
      %dma_wait3A_12 = tpu.memref_slice %arg4[%mul3A_2, %dma_wait3A_11] : memref<16384x128xf32, #tpu.memory_space<hbm>> -> memref<512x128xf32, #tpu.memory_space<hbm>>
      %dma_wait3A_13 = arith.constant 0 : i32
      %dma_wait3A_14 = tpu.memref_slice %arg4[%mul3A_2, %dma_wait3A_13] : memref<16384x128xf32, #tpu.memory_space<hbm>> -> memref<512x128xf32, #tpu.memory_space<hbm>>
      tpu.wait_dma2 semaphore(%run_scoped3A : memref<!tpu.dma_semaphore, #tpu.memory_space<semaphore_mem>>) src(%arg6 : memref<512x128xf32, #tpu.memory_space<vmem>>) dst(%dma_wait3A_14 : memref<512x128xf32, #tpu.memory_space<hbm>>)
      tpu.yield
    }) : () -> ()
    return
  }
}

module attributes {stable_mosaic.version = 14 : i64} {
  func.func @_detile_body(%arg0: i32, %arg1: memref<2x8x16384xf32, #tpu.memory_space<vmem>>, %arg2: memref<16384x128xf32, #tpu.memory_space<vmem>>) attributes {dimension_semantics = [#tpu.dimension_semantics<arbitrary>], iteration_bounds = array<i64: 62>, scalar_prefetch = 0 : i64, scratch_operands = 0 : i64, tpu.core_type = #tpu.core_type<tc>, window_params = [{transform_indices = @transform_0, window_bounds = array<i64: 2, 8, 16384>}, {transform_indices = @transform_1, window_bounds = array<i64: 16384, 128>}]} {
    %get3A = arith.constant 0 : index
    %get3A_0 = arith.constant 0 : index
    %get3A_1 = arith.constant 0 : index
    %get3A_2 = vector.load %arg1[%get3A, %get3A_0, %get3A_1] : memref<2x8x16384xf32, #tpu.memory_space<vmem>>, vector<2x8x16384xf32>
    %reshape3A = vector.shape_cast %get3A_2 : vector<2x8x16384xf32> to vector<16x16384xf32>
    %transpose3A = tpu.transpose %reshape3A, [1, 0] : vector<16x16384xf32> -> vector<16384x16xf32>
    %broadcast_in_dim3A = arith.constant 0.000000e+00 : f32
    %broadcast_in_dim3A_3 = vector.broadcast %broadcast_in_dim3A : f32 to vector<16384x112xf32>
    %concatenate3A = tpu.concatenate %transpose3A, %broadcast_in_dim3A_3 in 1 : vector<16384x16xf32>, vector<16384x112xf32> -> vector<16384x128xf32>
    %swap3A = arith.constant 0 : index
    %swap3A_4 = arith.constant 0 : index
    %swap3A_5 = vector.load %arg2[%swap3A, %swap3A_4] : memref<16384x128xf32, #tpu.memory_space<vmem>>, vector<16384x128xf32>
    tpu.vector_store %arg2[%swap3A, %swap3A_4], %concatenate3A {strides = array<i32>} : memref<16384x128xf32, #tpu.memory_space<vmem>>, vector<16384x128xf32>,
    return
  }
  func.func @transform_0(%arg0: i32) -> (i32, i32, i32) {
    %c0_i32 = arith.constant 0 : i32
    %c0_i32_0 = arith.constant 0 : i32
    %c0_i32_1 = arith.constant 0 : i32
    return %c0_i32, %c0_i32_0, %arg0 : i32, i32, i32
  }
  func.func @transform_1(%arg0: i32) -> (i32, i32) {
    %c0_i32 = arith.constant 0 : i32
    %c0_i32_0 = arith.constant 0 : i32
    return %arg0, %c0_i32 : i32, i32
  }
}

module attributes {stable_mosaic.version = 14 : i64} {
  func.func @_mlp_body(%arg0: i32, %arg1: memref<2048x32xf32, #tpu.memory_space<vmem>>, %arg2: memref<2048x128xf32, #tpu.memory_space<vmem>>, %arg3: memref<2048x8xi32, #tpu.memory_space<vmem>>, %arg4: memref<2048x56xf32, #tpu.memory_space<vmem>>, %arg5: memref<2048x32xf32, #tpu.memory_space<vmem>>, %arg6: memref<7x16xf32, #tpu.memory_space<vmem>>, %arg7: memref<2x16xf32, #tpu.memory_space<vmem>>, %arg8: memref<10x16xf32, #tpu.memory_space<vmem>>, %arg9: memref<10x16xf32, #tpu.memory_space<vmem>>, %arg10: memref<10x16xf32, #tpu.memory_space<vmem>>, %arg11: memref<10x16xf32, #tpu.memory_space<vmem>>, %arg12: memref<10x16xf32, #tpu.memory_space<vmem>>, %arg13: memref<248x256xf32, #tpu.memory_space<vmem>>, %arg14: memref<1x256xf32, #tpu.memory_space<vmem>>, %arg15: memref<256x256xf32, #tpu.memory_space<vmem>>, %arg16: memref<1x256xf32, #tpu.memory_space<vmem>>, %arg17: memref<2048x256xf32, #tpu.memory_space<vmem>>) attributes {dimension_semantics = [#tpu.dimension_semantics<arbitrary>], iteration_bounds = array<i64: 8>, scalar_prefetch = 0 : i64, scratch_operands = 0 : i64, tpu.core_type = #tpu.core_type<tc>, window_params = [{transform_indices = @transform_0, window_bounds = array<i64: 2048, 32>}, {transform_indices = @transform_1, window_bounds = array<i64: 2048, 128>}, {transform_indices = @transform_2, window_bounds = array<i64: 2048, 8>}, {transform_indices = @transform_3, window_bounds = array<i64: 2048, 56>}, {transform_indices = @transform_4, window_bounds = array<i64: 2048, 32>}, {pipeline_mode = #tpu.pipeline_mode<synchronous>, transform_indices = @transform_5, window_bounds = array<i64: 7, 16>}, {pipeline_mode = #tpu.pipeline_mode<synchronous>, transform_indices = @transform_6, window_bounds = array<i64: 2, 16>}, {pipeline_mode = #tpu.pipeline_mode<synchronous>, transform_indices = @transform_7, window_bounds = array<i64: 10, 16>}, {pipeline_mode = #tpu.pipeline_mode<synchronous>, transform_indices = @transform_8, window_bounds = array<i64: 10, 16>}, {pipeline_mode = #tpu.pipeline_mode<synchronous>, transform_indices = @transform_9, window_bounds = array<i64: 10, 16>}, {pipeline_mode = #tpu.pipeline_mode<synchronous>, transform_indices = @transform_10, window_bounds = array<i64: 10, 16>}, {pipeline_mode = #tpu.pipeline_mode<synchronous>, transform_indices = @transform_11, window_bounds = array<i64: 10, 16>}, {pipeline_mode = #tpu.pipeline_mode<synchronous>, transform_indices = @transform_12, window_bounds = array<i64: 248, 256>}, {pipeline_mode = #tpu.pipeline_mode<synchronous>, transform_indices = @transform_13, window_bounds = array<i64: 1, 256>}, {pipeline_mode = #tpu.pipeline_mode<synchronous>, transform_indices = @transform_14, window_bounds = array<i64: 256, 256>}, {pipeline_mode = #tpu.pipeline_mode<synchronous>, transform_indices = @transform_15, window_bounds = array<i64: 1, 256>}, {transform_indices = @transform_16, window_bounds = array<i64: 2048, 256>}]} {
    %get3A = arith.constant 0 : index
    %get3A_0 = arith.constant 0 : index
    %get3A_1 = vector.load %arg3[%get3A, %get3A_0] : memref<2048x8xi32, #tpu.memory_space<vmem>>, vector<2048x1xi32>
    %iota3A = tpu.iota {dimensions = array<i32: 1>} : vector<1x7xi32>
    %eq3A = vector.broadcast %get3A_1 : vector<2048x1xi32> to vector<2048x7xi32>
    %eq3A_2 = vector.broadcast %iota3A : vector<1x7xi32> to vector<2048x7xi32>
    %eq3A_3 = arith.cmpi eq, %eq3A, %eq3A_2 : vector<2048x7xi32>
    %convert_element_type3A = arith.extui %eq3A_3 : vector<2048x7xi1> to vector<2048x7xi32>
    %convert_element_type3A_4 = arith.sitofp %convert_element_type3A : vector<2048x7xi32> to vector<2048x7xf32>
    %get3A_5 = arith.constant 0 : index
    %get3A_6 = arith.constant 0 : index
    %get3A_7 = vector.load %arg6[%get3A_5, %get3A_6] : memref<7x16xf32, #tpu.memory_space<vmem>>, vector<7x16xf32>
    %dot_general3A = arith.constant dense<0.000000e+00> : vector<2048x16xf32>
    %dot_general3A_8 = tpu.matmul %convert_element_type3A_4, %get3A_7, %dot_general3A {dimension_numbers = #tpu.dot_dimension_numbers<[1], [0], [0], [1], [0, 0, 1, 1], [], []>, transpose_lhs_hint = false} : vector<2048x7xf32>, vector<7x16xf32>, vector<2048x16xf32> -> vector<2048x16xf32>
    %get3A_9 = arith.constant 0 : index
    %get3A_10 = arith.constant 1 : index
    %get3A_11 = vector.load %arg3[%get3A_9, %get3A_10] : memref<2048x8xi32, #tpu.memory_space<vmem>>, vector<2048x1xi32>
    %iota3A_12 = tpu.iota {dimensions = array<i32: 1>} : vector<1x2xi32>
    %eq3A_13 = vector.broadcast %get3A_11 : vector<2048x1xi32> to vector<2048x2xi32>
    %eq3A_14 = vector.broadcast %iota3A_12 : vector<1x2xi32> to vector<2048x2xi32>
    %eq3A_15 = arith.cmpi eq, %eq3A_13, %eq3A_14 : vector<2048x2xi32>
    %convert_element_type3A_16 = arith.extui %eq3A_15 : vector<2048x2xi1> to vector<2048x2xi32>
    %convert_element_type3A_17 = arith.sitofp %convert_element_type3A_16 : vector<2048x2xi32> to vector<2048x2xf32>
    %get3A_18 = arith.constant 0 : index
    %get3A_19 = arith.constant 0 : index
    %get3A_20 = vector.load %arg7[%get3A_18, %get3A_19] : memref<2x16xf32, #tpu.memory_space<vmem>>, vector<2x16xf32>
    %dot_general3A_21 = arith.constant dense<0.000000e+00> : vector<2048x16xf32>
    %dot_general3A_22 = tpu.matmul %convert_element_type3A_17, %get3A_20, %dot_general3A_21 {dimension_numbers = #tpu.dot_dimension_numbers<[1], [0], [0], [1], [0, 0, 1, 1], [], []>, transpose_lhs_hint = false} : vector<2048x2xf32>, vector<2x16xf32>, vector<2048x16xf32> -> vector<2048x16xf32>
    %get3A_23 = arith.constant 0 : index
    %get3A_24 = arith.constant 2 : index
    %get3A_25 = vector.load %arg3[%get3A_23, %get3A_24] : memref<2048x8xi32, #tpu.memory_space<vmem>>, vector<2048x1xi32>
    %iota3A_26 = tpu.iota {dimensions = array<i32: 1>} : vector<1x10xi32>
    %eq3A_27 = vector.broadcast %get3A_25 : vector<2048x1xi32> to vector<2048x10xi32>
    %eq3A_28 = vector.broadcast %iota3A_26 : vector<1x10xi32> to vector<2048x10xi32>
    %eq3A_29 = arith.cmpi eq, %eq3A_27, %eq3A_28 : vector<2048x10xi32>
    %convert_element_type3A_30 = arith.extui %eq3A_29 : vector<2048x10xi1> to vector<2048x10xi32>
    %convert_element_type3A_31 = arith.sitofp %convert_element_type3A_30 : vector<2048x10xi32> to vector<2048x10xf32>
    %get3A_32 = arith.constant 0 : index
    %get3A_33 = arith.constant 0 : index
    %get3A_34 = vector.load %arg8[%get3A_32, %get3A_33] : memref<10x16xf32, #tpu.memory_space<vmem>>, vector<10x16xf32>
    %dot_general3A_35 = arith.constant dense<0.000000e+00> : vector<2048x16xf32>
    %dot_general3A_36 = tpu.matmul %convert_element_type3A_31, %get3A_34, %dot_general3A_35 {dimension_numbers = #tpu.dot_dimension_numbers<[1], [0], [0], [1], [0, 0, 1, 1], [], []>, transpose_lhs_hint = false} : vector<2048x10xf32>, vector<10x16xf32>, vector<2048x16xf32> -> vector<2048x16xf32>
    %get3A_37 = arith.constant 0 : index
    %get3A_38 = arith.constant 3 : index
    %get3A_39 = vector.load %arg3[%get3A_37, %get3A_38] : memref<2048x8xi32, #tpu.memory_space<vmem>>, vector<2048x1xi32>
    %iota3A_40 = tpu.iota {dimensions = array<i32: 1>} : vector<1x10xi32>
    %eq3A_41 = vector.broadcast %get3A_39 : vector<2048x1xi32> to vector<2048x10xi32>
    %eq3A_42 = vector.broadcast %iota3A_40 : vector<1x10xi32> to vector<2048x10xi32>
    %eq3A_43 = arith.cmpi eq, %eq3A_41, %eq3A_42 : vector<2048x10xi32>
    %convert_element_type3A_44 = arith.extui %eq3A_43 : vector<2048x10xi1> to vector<2048x10xi32>
    %convert_element_type3A_45 = arith.sitofp %convert_element_type3A_44 : vector<2048x10xi32> to vector<2048x10xf32>
    %get3A_46 = arith.constant 0 : index
    %get3A_47 = arith.constant 0 : index
    %get3A_48 = vector.load %arg9[%get3A_46, %get3A_47] : memref<10x16xf32, #tpu.memory_space<vmem>>, vector<10x16xf32>
    %dot_general3A_49 = arith.constant dense<0.000000e+00> : vector<2048x16xf32>
    %dot_general3A_50 = tpu.matmul %convert_element_type3A_45, %get3A_48, %dot_general3A_49 {dimension_numbers = #tpu.dot_dimension_numbers<[1], [0], [0], [1], [0, 0, 1, 1], [], []>, transpose_lhs_hint = false} : vector<2048x10xf32>, vector<10x16xf32>, vector<2048x16xf32> -> vector<2048x16xf32>
    %get3A_51 = arith.constant 0 : index
    %get3A_52 = arith.constant 4 : index
    %get3A_53 = vector.load %arg3[%get3A_51, %get3A_52] : memref<2048x8xi32, #tpu.memory_space<vmem>>, vector<2048x1xi32>
    %iota3A_54 = tpu.iota {dimensions = array<i32: 1>} : vector<1x10xi32>
    %eq3A_55 = vector.broadcast %get3A_53 : vector<2048x1xi32> to vector<2048x10xi32>
    %eq3A_56 = vector.broadcast %iota3A_54 : vector<1x10xi32> to vector<2048x10xi32>
    %eq3A_57 = arith.cmpi eq, %eq3A_55, %eq3A_56 : vector<2048x10xi32>
    %convert_element_type3A_58 = arith.extui %eq3A_57 : vector<2048x10xi1> to vector<2048x10xi32>
    %convert_element_type3A_59 = arith.sitofp %convert_element_type3A_58 : vector<2048x10xi32> to vector<2048x10xf32>
    %get3A_60 = arith.constant 0 : index
    %get3A_61 = arith.constant 0 : index
    %get3A_62 = vector.load %arg10[%get3A_60, %get3A_61] : memref<10x16xf32, #tpu.memory_space<vmem>>, vector<10x16xf32>
    %dot_general3A_63 = arith.constant dense<0.000000e+00> : vector<2048x16xf32>
    %dot_general3A_64 = tpu.matmul %convert_element_type3A_59, %get3A_62, %dot_general3A_63 {dimension_numbers = #tpu.dot_dimension_numbers<[1], [0], [0], [1], [0, 0, 1, 1], [], []>, transpose_lhs_hint = false} : vector<2048x10xf32>, vector<10x16xf32>, vector<2048x16xf32> -> vector<2048x16xf32>
    %get3A_65 = arith.constant 0 : index
    %get3A_66 = arith.constant 5 : index
    %get3A_67 = vector.load %arg3[%get3A_65, %get3A_66] : memref<2048x8xi32, #tpu.memory_space<vmem>>, vector<2048x1xi32>
    %iota3A_68 = tpu.iota {dimensions = array<i32: 1>} : vector<1x10xi32>
    %eq3A_69 = vector.broadcast %get3A_67 : vector<2048x1xi32> to vector<2048x10xi32>
    %eq3A_70 = vector.broadcast %iota3A_68 : vector<1x10xi32> to vector<2048x10xi32>
    %eq3A_71 = arith.cmpi eq, %eq3A_69, %eq3A_70 : vector<2048x10xi32>
    %convert_element_type3A_72 = arith.extui %eq3A_71 : vector<2048x10xi1> to vector<2048x10xi32>
    %convert_element_type3A_73 = arith.sitofp %convert_element_type3A_72 : vector<2048x10xi32> to vector<2048x10xf32>
    %get3A_74 = arith.constant 0 : index
    %get3A_75 = arith.constant 0 : index
    %get3A_76 = vector.load %arg11[%get3A_74, %get3A_75] : memref<10x16xf32, #tpu.memory_space<vmem>>, vector<10x16xf32>
    %dot_general3A_77 = arith.constant dense<0.000000e+00> : vector<2048x16xf32>
    %dot_general3A_78 = tpu.matmul %convert_element_type3A_73, %get3A_76, %dot_general3A_77 {dimension_numbers = #tpu.dot_dimension_numbers<[1], [0], [0], [1], [0, 0, 1, 1], [], []>, transpose_lhs_hint = false} : vector<2048x10xf32>, vector<10x16xf32>, vector<2048x16xf32> -> vector<2048x16xf32>
    %get3A_79 = arith.constant 0 : index
    %get3A_80 = arith.constant 6 : index
    %get3A_81 = vector.load %arg3[%get3A_79, %get3A_80] : memref<2048x8xi32, #tpu.memory_space<vmem>>, vector<2048x1xi32>
    %iota3A_82 = tpu.iota {dimensions = array<i32: 1>} : vector<1x10xi32>
    %eq3A_83 = vector.broadcast %get3A_81 : vector<2048x1xi32> to vector<2048x10xi32>
    %eq3A_84 = vector.broadcast %iota3A_82 : vector<1x10xi32> to vector<2048x10xi32>
    %eq3A_85 = arith.cmpi eq, %eq3A_83, %eq3A_84 : vector<2048x10xi32>
    %convert_element_type3A_86 = arith.extui %eq3A_85 : vector<2048x10xi1> to vector<2048x10xi32>
    %convert_element_type3A_87 = arith.sitofp %convert_element_type3A_86 : vector<2048x10xi32> to vector<2048x10xf32>
    %get3A_88 = arith.constant 0 : index
    %get3A_89 = arith.constant 0 : index
    %get3A_90 = vector.load %arg12[%get3A_88, %get3A_89] : memref<10x16xf32, #tpu.memory_space<vmem>>, vector<10x16xf32>
    %dot_general3A_91 = arith.constant dense<0.000000e+00> : vector<2048x16xf32>
    %dot_general3A_92 = tpu.matmul %convert_element_type3A_87, %get3A_90, %dot_general3A_91 {dimension_numbers = #tpu.dot_dimension_numbers<[1], [0], [0], [1], [0, 0, 1, 1], [], []>, transpose_lhs_hint = false} : vector<2048x10xf32>, vector<10x16xf32>, vector<2048x16xf32> -> vector<2048x16xf32>
    %get3A_93 = arith.constant 0 : index
    %get3A_94 = arith.constant 0 : index
    %get3A_95 = vector.load %arg1[%get3A_93, %get3A_94] : memref<2048x32xf32, #tpu.memory_space<vmem>>, vector<2048x16xf32>
    %get3A_96 = arith.constant 0 : index
    %get3A_97 = arith.constant 16 : index
    %get3A_98 = vector.load %arg1[%get3A_96, %get3A_97] : memref<2048x32xf32, #tpu.memory_space<vmem>>, vector<2048x16xf32>
    %get3A_99 = arith.constant 0 : index
    %get3A_100 = arith.constant 0 : index
    %get3A_101 = vector.load %arg2[%get3A_99, %get3A_100] : memref<2048x128xf32, #tpu.memory_space<vmem>>, vector<2048x16xf32>
    %get3A_102 = arith.constant 0 : index
    %get3A_103 = arith.constant 0 : index
    %get3A_104 = vector.load %arg4[%get3A_102, %get3A_103] : memref<2048x56xf32, #tpu.memory_space<vmem>>, vector<2048x56xf32>
    %get3A_105 = arith.constant 0 : index
    %get3A_106 = arith.constant 0 : index
    %get3A_107 = vector.load %arg5[%get3A_105, %get3A_106] : memref<2048x32xf32, #tpu.memory_space<vmem>>, vector<2048x32xf32>
    %concatenate3A = tpu.concatenate %get3A_95, %dot_general3A_8, %dot_general3A_22, %get3A_98, %get3A_101, %dot_general3A_36, %dot_general3A_50, %dot_general3A_64, %dot_general3A_78, %dot_general3A_92, %get3A_104, %get3A_107 in 1 : vector<2048x16xf32>, vector<2048x16xf32>, vector<2048x16xf32>, vector<2048x16xf32>, vector<2048x16xf32>, vector<2048x16xf32>, vector<2048x16xf32>, vector<2048x16xf32>, vector<2048x16xf32>, vector<2048x16xf32>, vector<2048x56xf32>, vector<2048x32xf32> -> vector<2048x248xf32>
    %get3A_108 = arith.constant 0 : index
    %get3A_109 = arith.constant 0 : index
    %get3A_110 = vector.load %arg13[%get3A_108, %get3A_109] : memref<248x256xf32, #tpu.memory_space<vmem>>, vector<248x256xf32>
    %dot_general3A_111 = arith.constant dense<0.000000e+00> : vector<2048x256xf32>
    %dot_general3A_112 = tpu.matmul %concatenate3A, %get3A_110, %dot_general3A_111 {dimension_numbers = #tpu.dot_dimension_numbers<[1], [0], [0], [1], [0, 0, 1, 1], [], []>, transpose_lhs_hint = false} : vector<2048x248xf32>, vector<248x256xf32>, vector<2048x256xf32> -> vector<2048x256xf32>
    %get3A_113 = arith.constant 0 : index
    %get3A_114 = arith.constant 0 : index
    %get3A_115 = vector.load %arg14[%get3A_113, %get3A_114] : memref<1x256xf32, #tpu.memory_space<vmem>>, vector<1x256xf32>
    %add3A = vector.broadcast %get3A_115 : vector<1x256xf32> to vector<2048x256xf32>
    %add3A_116 = arith.addf %dot_general3A_112, %add3A : vector<2048x256xf32>
    %max3A = arith.constant 0.000000e+00 : f32
    %max3A_117 = vector.broadcast %max3A : f32 to vector<2048x256xf32>
    %max3A_118 = arith.maximumf %add3A_116, %max3A_117 : vector<2048x256xf32>
    %get3A_119 = arith.constant 0 : index
    %get3A_120 = arith.constant 0 : index
    %get3A_121 = vector.load %arg15[%get3A_119, %get3A_120] : memref<256x256xf32, #tpu.memory_space<vmem>>, vector<256x256xf32>
    %dot_general3A_122 = arith.constant dense<0.000000e+00> : vector<2048x256xf32>
    %dot_general3A_123 = tpu.matmul %max3A_118, %get3A_121, %dot_general3A_122 {dimension_numbers = #tpu.dot_dimension_numbers<[1], [0], [0], [1], [0, 0, 1, 1], [], []>, transpose_lhs_hint = false} : vector<2048x256xf32>, vector<256x256xf32>, vector<2048x256xf32> -> vector<2048x256xf32>
    %get3A_124 = arith.constant 0 : index
    %get3A_125 = arith.constant 0 : index
    %get3A_126 = vector.load %arg16[%get3A_124, %get3A_125] : memref<1x256xf32, #tpu.memory_space<vmem>>, vector<1x256xf32>
    %add3A_127 = vector.broadcast %get3A_126 : vector<1x256xf32> to vector<2048x256xf32>
    %add3A_128 = arith.addf %dot_general3A_123, %add3A_127 : vector<2048x256xf32>
    %max3A_129 = arith.constant 0.000000e+00 : f32
    %max3A_130 = vector.broadcast %max3A_129 : f32 to vector<2048x256xf32>
    %max3A_131 = arith.maximumf %add3A_128, %max3A_130 : vector<2048x256xf32>
    %swap3A = arith.constant 0 : index
    %swap3A_132 = arith.constant 0 : index
    %swap3A_133 = vector.load %arg17[%swap3A, %swap3A_132] : memref<2048x256xf32, #tpu.memory_space<vmem>>, vector<2048x256xf32>
    tpu.vector_store %arg17[%swap3A, %swap3A_132], %max3A_131 {strides = array<i32>} : memref<2048x256xf32, #tpu.memory_space<vmem>>, vector<2048x256xf32>,
    return
  }
  func.func @transform_0(%arg0: i32) -> (i32, i32) {
    %c0_i32 = arith.constant 0 : i32
    %c0_i32_0 = arith.constant 0 : i32
    return %arg0, %c0_i32 : i32, i32
  }
  func.func @transform_1(%arg0: i32) -> (i32, i32) {
    %c0_i32 = arith.constant 0 : i32
    %c0_i32_0 = arith.constant 0 : i32
    return %arg0, %c0_i32 : i32, i32
  }
  func.func @transform_2(%arg0: i32) -> (i32, i32) {
    %c0_i32 = arith.constant 0 : i32
    %c0_i32_0 = arith.constant 0 : i32
    return %arg0, %c0_i32 : i32, i32
  }
  func.func @transform_3(%arg0: i32) -> (i32, i32) {
    %c0_i32 = arith.constant 0 : i32
    %c0_i32_0 = arith.constant 0 : i32
    return %arg0, %c0_i32 : i32, i32
  }
  func.func @transform_4(%arg0: i32) -> (i32, i32) {
    %c0_i32 = arith.constant 0 : i32
    %c0_i32_0 = arith.constant 0 : i32
    return %arg0, %c0_i32 : i32, i32
  }
  func.func @transform_5(%arg0: i32) -> (i32, i32) {
    %c0_i32 = arith.constant 0 : i32
    %c0_i32_0 = arith.constant 0 : i32
    %c0_i32_1 = arith.constant 0 : i32
    return %c0_i32, %c0_i32_0 : i32, i32
  }
  func.func @transform_6(%arg0: i32) -> (i32, i32) {
    %c0_i32 = arith.constant 0 : i32
    %c0_i32_0 = arith.constant 0 : i32
    %c0_i32_1 = arith.constant 0 : i32
    return %c0_i32, %c0_i32_0 : i32, i32
  }
  func.func @transform_7(%arg0: i32) -> (i32, i32) {
    %c0_i32 = arith.constant 0 : i32
    %c0_i32_0 = arith.constant 0 : i32
    %c0_i32_1 = arith.constant 0 : i32
    return %c0_i32, %c0_i32_0 : i32, i32
  }
  func.func @transform_8(%arg0: i32) -> (i32, i32) {
    %c0_i32 = arith.constant 0 : i32
    %c0_i32_0 = arith.constant 0 : i32
    %c0_i32_1 = arith.constant 0 : i32
    return %c0_i32, %c0_i32_0 : i32, i32
  }
  func.func @transform_9(%arg0: i32) -> (i32, i32) {
    %c0_i32 = arith.constant 0 : i32
    %c0_i32_0 = arith.constant 0 : i32
    %c0_i32_1 = arith.constant 0 : i32
    return %c0_i32, %c0_i32_0 : i32, i32
  }
  func.func @transform_10(%arg0: i32) -> (i32, i32) {
    %c0_i32 = arith.constant 0 : i32
    %c0_i32_0 = arith.constant 0 : i32
    %c0_i32_1 = arith.constant 0 : i32
    return %c0_i32, %c0_i32_0 : i32, i32
  }
  func.func @transform_11(%arg0: i32) -> (i32, i32) {
    %c0_i32 = arith.constant 0 : i32
    %c0_i32_0 = arith.constant 0 : i32
    %c0_i32_1 = arith.constant 0 : i32
    return %c0_i32, %c0_i32_0 : i32, i32
  }
  func.func @transform_12(%arg0: i32) -> (i32, i32) {
    %c0_i32 = arith.constant 0 : i32
    %c0_i32_0 = arith.constant 0 : i32
    %c0_i32_1 = arith.constant 0 : i32
    return %c0_i32, %c0_i32_0 : i32, i32
  }
  func.func @transform_13(%arg0: i32) -> (i32, i32) {
    %c0_i32 = arith.constant 0 : i32
    %c0_i32_0 = arith.constant 0 : i32
    %c0_i32_1 = arith.constant 0 : i32
    return %c0_i32, %c0_i32_0 : i32, i32
  }
  func.func @transform_14(%arg0: i32) -> (i32, i32) {
    %c0_i32 = arith.constant 0 : i32
    %c0_i32_0 = arith.constant 0 : i32
    %c0_i32_1 = arith.constant 0 : i32
    return %c0_i32, %c0_i32_0 : i32, i32
  }
  func.func @transform_15(%arg0: i32) -> (i32, i32) {
    %c0_i32 = arith.constant 0 : i32
    %c0_i32_0 = arith.constant 0 : i32
    %c0_i32_1 = arith.constant 0 : i32
    return %c0_i32, %c0_i32_0 : i32, i32
  }
  func.func @transform_16(%arg0: i32) -> (i32, i32) {
    %c0_i32 = arith.constant 0 : i32
    %c0_i32_0 = arith.constant 0 : i32
    return %arg0, %c0_i32 : i32, i32
  }
}

</mosaic_0001>

<sc_bundles>
// kernel: kernel.6.cloned.1.call-start
scs
__scs_entry_jumppad:
0x0: {  	(pc) =	sbr.rel $0x88, $3  }
0x1: {  	(tag) =	ssettag $0x0;
	lr =	simm.s32 $0x1  }
0x2: {  	[smem:$0x3F87] =	sst lr;
	_ =	strace $0xD0000000  }
0x3: {  	_ = 	snop  }
0x4: {  	_ = 	snop  }
0x5: {  	_ = 	snop  }
0x6: {  	_ = 	snop  }
0x7: {  	_ = 	snop  }
__scs_overlays_trampoline_lowered:
0x8: {  	[smem:$0x3F96] =	sst s0  }
0x9: {  	[smem:$0x3F97] =	sst s1  }
0xa: {  	[smem:$0x3F98] =	sst s2  }
0xb: {  	[smem:$0x3F99] =	sst s3  }
0xc: {  	[smem:$0x3F9A] =	sst s4  }
0xd: {  	[smem:$0x3F9B] =	sst s5  }
0xe: {  	[smem:$0x3F9C] =	sst s6  }
0xf: {  	[smem:$0x3F9D] =	sst s7  }
0x10: {  	[smem:$0x3F9E] =	sst s8  }
0x11: {  	[smem:$0x3F9F] =	sst s9;
	s0 =	simm.s32 @!p0 $0x0  }
0x12: {  	s1 =	sld [smem:$0x3F85];
	s0 =	simm.s32 @p0 $0x1  }
0x13: {  	[smem:$0x3FA0] =	sst s0;
	s0 =	simm.s32 @!p1 $0x0  }
0x14: {  	s2 =	sld [smem:$0x3F84];
	s0 =	simm.s32 @p1 $0x1  }
0x15: {  	[smem:$0x3FA1] =	sst s0;
	s0 =	simm.s32 @!p2 $0x0  }
0x16: {  	s3 =	sld [smem:$0x3FDB];
	s0 =	simm.s32 @p2 $0x1  }
0x17: {  	s4 =	simm.s32 $0x1BF5;
	[smem:$0x3FA3] =	sst s0  }
0x18: {  	s0 =	sld [smem:$0x3F86];
	_ =	swait.ge [sflag:s4], $0x0  }
0x19: {  	s7 =	sld [smem:$0x3F87]  }
0x1a: {  	s8 =	sadd.s32 $0xFFFFE003, lr  }
0x1b: {  	s9 =	sadd.s32 $0xFFFFFEF7, lr;
	s5 =	simm.s32 $0xFFFFFFFF;
	p2 =	slt.u32 s8, $0xFFFFF086  }
0x1c: {  	p1 =	slt.u32 s9, $0xF7A;
	s5 =	simm.s32 @!p2 $0x0  }
0x1d: {  	s5 =	simm.s32 @p1 $0x1;
	p0 =	seq.s32 s7, s2  }
0x1e: {  	s7 =	smul.u32 @!p0 $0xF7A, s2;
	p2 =	seq.s32 @!p0 s5, $0x0  }
0x1f: {  	s9 =	smul.u32 $0xF7A, s1;
	s8 =	simm.s32 @!p0 $0x1BF5;
	p2 =	por !p2, p0  }
0x20: {  	[sflag:s8] =	ssyncset.s32 @!p0 $0xFFFFF086;
	s6 =	sadd.s32 @!p0 s3, s7;
	s7 =	simm.s32 @!p0 $0x108  }
0x21: {  	s3 =	sadd.s32 s3, s9;
	s6 =	sadd.s32 @!p0 $0x88, s6;
	s7 =	simm.s32 @p2 $0x1082  }
0x22: {  	[simem:s7], [sflag:s8] =	dma.local @!p0 [hbm:s6], $0xF7A  }
0x23: {  	s9 =	sor.u32 $0xD0000000, s2;
	s6 =	simm.s32 $0x108;
	_ =	swait.ge @!p0 [sflag:s8], $0x0  }
0x24: {  	s3 =	sadd.s32 $0x88, s3;
	s6 =	simm.s32 @!p1 $0x1082;
	[sflag:s4] =	ssyncset.s32 $0xFFFFF086  }
0x25: {  	[simem:s6], [sflag:s4] =	dma.local [hbm:s3], $0xF7A  }
0x26: {  	[smem:$0x3F87] =	sst s1;
	(tag) =	ssettag s2;
	_ =	strace s9  }
0x27: {  	s1 =	sld [smem:$0x3F97]  }
0x28: {  	s2 =	sld [smem:$0x3F98]  }
0x29: {  	s4 =	sld [smem:$0x3F9A]  }
0x2a: {  	p0 =	seq.s32 s5, $0x0;
	s5 =	sld [smem:$0x3F9B]  }
0x2b: {  	s6 =	sld [smem:$0x3F9C]  }
0x2c: {  	s7 =	sld [smem:$0x3F9D]  }
0x2d: {  	s3 =	simm.s32 $0x108;
	s8 =	sld [smem:$0x3F9E]  }
0x2e: {  	s3 =	simm.s32 @!p0 $0x1082;
	s9 =	sld [smem:$0x3F9F]  }
0x2f: {  	lr =	sadd.s32 s0, s3;
	s0 =	sld [smem:$0x3F96]  }
0x30: {  	s3 =	sld [smem:$0x3F99]  }
0x31: {  	[smem:$0x3FA2] =	sst s10  }
0x32: {  	s10 =	sld [smem:$0x3FA0];
	_ =	sdelay $0x3  }
0x33: {  	p0 =	seq.s32 s10, $0x1;
	s10 =	sld [smem:$0x3FA2];
	_ =	sdelay $0x3  }
0x34: {  	[smem:$0x3FA2] =	sst s10  }
0x35: {  	s10 =	sld [smem:$0x3FA1];
	_ =	sdelay $0x3  }
0x36: {  	p1 =	seq.s32 s10, $0x1;
	s10 =	sld [smem:$0x3FA2];
	_ =	sdelay $0x3  }
0x37: {  	[smem:$0x3FA2] =	sst s10  }
0x38: {  	s10 =	sld [smem:$0x3FA3]  }
0x39: {  	_ = 	snop;
	(pc) =	sbr.ind lr, $3  }
0x3a: {  	_ = 	snop  }
0x3b: {  	_ = 	snop  }
0x3c: {  	p2 =	seq.s32 s10, $0x1;
	s10 =	sld [smem:$0x3FA2]  }
0x3d: {  	_ =	shalt  }
0x3e: {  	_ =	shalt  }
0x3f: {  	_ =	shalt  }
0x40: {  	_ =	shalt  }
0x41: {  	_ =	shalt  }
0x42: {  	_ =	shalt  }
0x43: {  	_ =	shalt  }
0x44: {  	_ =	shalt  }
0x45: {  	_ =	shalt  }
0x46: {  	_ =	shalt  }
0x47: {  	_ =	shalt  }
0x48: {  	_ =	shalt  }
0x49: {  	_ =	shalt  }
0x4a: {  	_ =	shalt  }
0x4b: {  	_ =	shalt  }
0x4c: {  	_ =	shalt  }
0x4d: {  	_ =	shalt  }
0x4e: {  	_ =	shalt  }
0x4f: {  	_ =	shalt  }
0x50: {  	_ =	shalt  }
0x51: {  	_ =	shalt  }
0x52: {  	_ =	shalt  }
0x53: {  	_ =	shalt  }
0x54: {  	_ =	shalt  }
0x55: {  	_ =	shalt  }
0x56: {  	_ =	shalt  }
0x57: {  	_ =	shalt  }
0x58: {  	_ =	shalt  }
0x59: {  	_ =	shalt  }
0x5a: {  	_ =	shalt  }
0x5b: {  	_ =	shalt  }
0x5c: {  	_ =	shalt  }
0x5d: {  	_ =	shalt  }
0x5e: {  	_ =	shalt  }
0x5f: {  	_ =	shalt  }
0x60: {  	_ =	shalt  }
0x61: {  	_ =	shalt  }
0x62: {  	_ =	shalt  }
0x63: {  	_ =	shalt  }
0x64: {  	_ =	shalt  }
0x65: {  	_ =	shalt  }
0x66: {  	_ =	shalt  }
0x67: {  	_ =	shalt  }
0x68: {  	_ =	shalt  }
0x69: {  	_ =	shalt  }
0x6a: {  	_ =	shalt  }
0x6b: {  	_ =	shalt  }
0x6c: {  	_ =	shalt  }
0x6d: {  	_ =	shalt  }
0x6e: {  	_ =	shalt  }
0x6f: {  	_ =	shalt  }
0x70: {  	_ =	shalt  }
0x71: {  	_ =	shalt  }
0x72: {  	_ =	shalt  }
0x73: {  	_ =	shalt  }
0x74: {  	_ =	shalt  }
0x75: {  	_ =	shalt  }
0x76: {  	_ =	shalt  }
0x77: {  	_ =	shalt  }
0x78: {  	_ =	shalt  }
0x79: {  	_ =	shalt  }
0x7a: {  	_ =	shalt  }
0x7b: {  	_ =	shalt  }
0x7c: {  	_ =	shalt  }
0x7d: {  	_ =	shalt  }
0x7e: {  	_ =	shalt  }
0x7f: {  	_ =	shalt  }
0x80: {  	_ =	shalt  }
0x81: {  	_ =	shalt  }
0x82: {  	_ =	shalt  }
0x83: {  	_ =	shalt  }
0x84: {  	_ =	shalt  }
0x85: {  	_ =	shalt  }
0x86: {  	_ =	shalt  }
0x87: {  	_ =	shalt  }
.Lfunc_end0:
.L_simem_size_0:
called_computation_lowered:
.L_overlay_start_0:
0x88: {  	s2 =	sld [smem:$0x3FD9]  }
0x89: {  	s3 =	sld [smem:$0x3FFE];
	_ =	sdelay $0x1  }
0x8a: {  	s1 =	srdreg.scid  }
0x8b: {  	s0 =	sand.u32 $0x1, s1  }
0x8c: {  	s16 =	sshll.u32 s0, $0xA;
	s2 =	sadd.s32 s3, s2  }
0x8d: {  	s2 =	sadd.s32 s2, s16  }
0x8e: {  	[smem:$0x3FAE] =	sst s2  }
0x8f: {  	_ = 	snop  }
0x90: {  	(tm) =	ssettm $0x1  }
0x91: {  	s17 =	sld [smem:$0x3FFB];
	_ =	sdelay $0x3  }
0x92: {  	_ =	strace s17  }
0x93: {  	s2 =	sld [smem:$0x3FFC];
	_ =	sdelay $0x3  }
0x94: {  	_ =	strace s2  }
0x95: {  	s2 =	sld [smem:$0x3FFD];
	_ =	sdelay $0x3  }
0x96: {  	_ =	strace s2  }
0x97: {  	_ =	strace $0x8FFFFFFF  }
0x98: {  	s18 =	sld [smem:$0x3FDB];
	_ =	sdelay $0x1  }
0x99: {  	s19 =	simm.s32 $_scs_section_size  }
0x9a: {  	s4 =	simm.s32 $_size__tile_overlayer_lowered;
	s5 =	simm.s32 $_tile_overlayer_lowered  }
0x9b: {  	s22 =	simm.s32 $0x1BFF;
	s21 =	sshll.u32 s5, $0x1;
	s2 =	sadd.s32 s19, s18  }
0x9c: {  	s6 =	simm.s32 $0x0;
	s20 =	sshll.u32 s4, $0x1;
	s4 =	sadd.s32 s21, s2  }
0x9d: {  	[timem:s6], [sflag:s22] =	dma.local [hbm:s4], s20  }
0x9e: {  	_ =	swait.ge [sflag:s22], s20  }
0x9f: {  	s3 =	ssub.s32 $0x0, s20;
	[sflag:s22] =	ssyncset.done $0x0  }
0xa0: {  	[sflag:s22] =	ssyncadd.s32 s3;
	_ =	sdelay $0x1  }
0xa1: {  	s23 =	simm.s32 $0x1B8B  }
0xa2: {  	_ =	swait.ge [sflag:s23], $0x1  }
0xa3: {  	[sflag:s23] =	ssyncset.done $0x0  }
0xa4: {  	s25 =	simm.s32 $0x1B8E;
	s24 =	sld [smem:$0x3FFE];
	[sflag:s23] =	ssyncadd.s32 $0xFFFFFFFF  }
0xa5: {  	s26 =	simm.s32 $execute0_lowered;
	[smem:$0x3FD2] =	sst s25  }
0xa6: {  	s4 =	sshll.u32 s26, $0x1;
	_ =	strace $0x80000046;
	[dreg:$0x1] =	wrdreg $0xFFFFFFFF  }
0xa7: {  	s28 =	simm.s32 $_size_execute0_lowered;
	s2 =	sadd.s32 s2, s4;
	[dreg:$0x0] =	wrdreg $0x0  }
0xa8: {  	s4 =	sshll.u32 s28, $0x1;
	[dreg:$0x2] =	wrdreg s2  }
0xa9: {  	[dreg:$0x3] =	wrdreg s4  }
0xaa: {  	[dreg:$0x4] =	wrdreg $0xC0  }
0xab: {  	_ =	task [dreg:s6], $0x5FFFF  }
0xac: {  	[dreg:$0x1] =	wrdreg $0xFFFFFFFF  }
0xad: {  	[dreg:$0x0] =	wrdreg $0x60  }
0xae: {  	[dreg:$0x2] =	wrdreg s24  }
0xaf: {  	[dreg:$0x3] =	wrdreg $0x9  }
0xb0: {  	_ =	task.clear_ibuf [dreg:s6], $0x4FFFF;
	_ =	strace $0x90000046  }
0xb1: {  	s29 =	simm.s32 $0x9;
	_ =	strace $0x80000048  }
0xb2: {  	_ =	swait.ge [sflag:s29], $0x1  }
0xb3: {  	[sflag:s29] =	ssyncadd.s32 $0xFFFFFFFF  }
0xb4: {  	_ =	strace $0x90000048  }
0xb5: {  	_ =	sfence  }
0xb6: {  	s30 =	sld [smem:$0x0];
	_ =	sdelay $0x2  }
0xb7: {  	s31 =	sshll.u32 s1, $0xD;
	s1 =	sshrl.u32 s1, $0x2  }
0xb8: {  	s3 =	sand.u32 $0x4000, s31;
	s1 =	sadd.s32 s1, s30  }
0xb9: {  	s0 =	sor.u32 s3, s0;
	s1 =	sshll.u32 s1, $0x11  }
0xba: {  	s0 =	sor.u32 s1, s0  }
0xbb: {  	s0 =	sadd.s32 $0x8F2B, s0  }
0xbc: {  	[sflag:s0] =	ssyncadd.remote.s32 $0x1  }
0xbd: {  	_ =	sfence.sel $0xFFFF  }
0xbe: {  	[dreg:$0x0] =	wrdreg $0xFFFFFFFF;
	(pc) =	sbr.abs _section_cstart, $3  }
0xbf: {  	[dreg:$0x1] =	wrdreg $0xFFFFFFFF  }
0xc0: {  	_ =	task.clear_ibuf [dreg:s6], $0x2FFFF;
	_ =	strace $0x9FFFFFFF  }
0xc1: {  	(tm) =	ssettm $0x7FFFFFFF  }
tec
execute0_lowered:
.L_overlay_start_1:
0x0: {  	(tag) =	ssettag $0x1  }
0x1: {  	s1 =	srdreg.scid  }
0x2: {  	s0 =	stileid.u32;
	s16 =	sand.u32 $0x1, s1  }
0x3: {  	s31 =	sshll.u32 s0, $0xA;
	s2 =	sshll.u32 s16, $0x9  }
0x4: {  	s12 =	rddreg [dreg:$0x0];
	s4 =	simm.s32 $0x200;
	s10 =	sor.u32 s2, s31  }
0x5: {  	s5 =	simm.s32 $0x4000;
	s2 =	simm.s32 $0x0;
	s3 =	sshrl.u32 s10, $0x3  }
0x6: {  	s6 =	simm.s32 $0x5;
	[smem:$0x7FF] =	sst s2;
	s3 =	sadd.s32 s3, s12  }
0x7: {  	s1 =	rddreg [dreg:$0x1];
	_ =	strace $0x80000047;
	s3 =	sadd.s32 $0x3A00, s3  }
0x8: {  	[tilespmem:s2], [sflag:$0x5] =	stream.strided.gather [hbm4b:s3+s4], $0x400, s5, s4, $0x38;
	[tilespmem:$0x4400] =	vst v63  }
0x9: {  	_ =	swait.ge [sflag:s6], $0x400  }
0xa: {  	s9 =	simm.s32 $0x400;
	s11 =	simm.s32 $0x1;
	[sflag:s6] =	ssyncset.done $0x0  }
0xb: {  	s14 =	simm.s32 $0x20;
	s7 =	sadd.s32 $0x3200, s12;
	[sflag:s6] =	ssyncadd.s32 $0xFFFFFC00  }
0xc: {  	[tilespmem:s9], [sflag:$0x1] =	stream.indirect.gather [hbm4b:s7+s4], $0x10, s2, s4, $0xb8;
	[tilespmem:$0x4400] =	vst v63  }
0xd: {  	s8 =	sadd.s32 $0x4A00, s12;
	s13 =	sshll.u32 s10, $0x2;
	s10 =	simm.s32 $0x2400  }
0xe: {  	[tilespmem:s10], [sflag:$0x2] =	stream.indirect.gather [hbm4b:s8+s4], $0x10, s4, s4, $0xb8;
	[tilespmem:$0x4400] =	vst v63  }
0xf: {  	s15 =	simm.s32 $0x2;
	s18 =	ssub.s32 $0x2, s16;
	_ =	swait.ge [sflag:s11], $0x2000  }
0x10: {  	s19 =	sshrl.u32 s18, $0x1;
	s17 =	sadd.s32 s13, s12;
	[sflag:s11] =	ssyncset.done $0x0  }
0x11: {  	s13 =	simm.s32 $0x10;
	s12 =	sadd.s32 $0x4E00, s17;
	[sflag:s11] =	ssyncadd.s32 $0xFFFFE000  }
0x12: {  	[hbm4b:s12+s13] =	stream.strided.scatter [tilespmem:s9], [sflag:$0x3], $0x2000, s14, s13, $0x38;
	[tilespmem:$0x4400] =	vst v63  }
0x13: {  	s18 =	ssub.s32 s18, s19;
	_ =	swait.ge [sflag:s15], $0x2000  }
0x14: {  	s19 =	smax.u32 s18, $0x1;
	s16 =	sadd.s32 $0x4E02, s17;
	[sflag:s15] =	ssyncset.done $0x0  }
0x15: {  	s17 =	simm.s32 $0x3;
	p0 =	sne.s32 s19, $0x1;
	[sflag:s15] =	ssyncadd.s32 $0xFFFFE000  }
0x16: {  	[hbm4b:s16+s13] =	stream.strided.scatter [tilespmem:s10], [sflag:$0x4], $0x2000, s14, s13, $0x38;
	[tilespmem:$0x4400] =	vst v63  }
.Ltmp0:
0x17: {  	_ =	swait.ge [sflag:s17], $0x2000;
	(pc) =	sbr.rel @!p0 .LBB2_2-.Ltmp0, $4  }
0x18: {  	[sflag:s17] =	ssyncset.done $0x0  }
0x19: {  	s18 =	simm.s32 $0x4;
	[sflag:s17] =	ssyncadd.s32 $0xFFFFE000  }
0x1a: {  	_ =	swait.ge [sflag:s18], $0x2000  }
0x1b: {  	s19 =	sadd.s32 $0xFFFFFFFF, s19;
	[sflag:s18] =	ssyncset.done $0x0  }
.LBB2_1:
0x1c: {  	p0 =	sne.s32 s19, $0x1;
	s19 =	sadd.s32 $0xFFFFFFFF, s19;
	[sflag:s18] =	ssyncadd.s32 $0xFFFFE000  }
0x1d: {  	[tilespmem:s2], [sflag:$0x5] =	stream.strided.gather [hbm4b:s3+s4], $0x400, s5, s4, $0x38;
	[tilespmem:$0x4400] =	vst v63  }
0x1e: {  	_ =	swait.ge [sflag:s6], $0x400  }
0x1f: {  	[sflag:s6] =	ssyncset.done $0x0  }
0x20: {  	[sflag:s6] =	ssyncadd.s32 $0xFFFFFC00  }
0x21: {  	[tilespmem:s9], [sflag:$0x1] =	stream.indirect.gather [hbm4b:s7+s4], $0x10, s2, s4, $0xb8;
	[tilespmem:$0x4400] =	vst v63  }
0x22: {  	_ = 	snop  }
0x23: {  	[tilespmem:s10], [sflag:$0x2] =	stream.indirect.gather [hbm4b:s8+s4], $0x10, s4, s4, $0xb8;
	[tilespmem:$0x4400] =	vst v63  }
0x24: {  	_ =	swait.ge [sflag:s11], $0x2000  }
0x25: {  	[sflag:s11] =	ssyncset.done $0x0  }
0x26: {  	[sflag:s11] =	ssyncadd.s32 $0xFFFFE000  }
0x27: {  	[hbm4b:s12+s13] =	stream.strided.scatter [tilespmem:s9], [sflag:$0x3], $0x2000, s14, s13, $0x38;
	[tilespmem:$0x4400] =	vst v63  }
0x28: {  	_ =	swait.ge [sflag:s15], $0x2000  }
0x29: {  	[sflag:s15] =	ssyncset.done $0x0  }
0x2a: {  	[sflag:s15] =	ssyncadd.s32 $0xFFFFE000  }
0x2b: {  	[hbm4b:s16+s13] =	stream.strided.scatter [tilespmem:s10], [sflag:$0x4], $0x2000, s14, s13, $0x38;
	[tilespmem:$0x4400] =	vst v63  }
.Ltmp1:
0x2c: {  	_ =	swait.ge [sflag:s17], $0x2000;
	(pc) =	sbr.rel @p0 .LBB2_1-.Ltmp1, $4  }
0x2d: {  	[sflag:s17] =	ssyncset.done $0x0  }
0x2e: {  	[sflag:s17] =	ssyncadd.s32 $0xFFFFE000  }
0x2f: {  	_ =	swait.ge [sflag:s18], $0x2000  }
0x30: {  	[sflag:s18] =	ssyncset.done $0x0  }
.LBB2_2:
0x31: {  	[sflag:s18] =	ssyncadd.s32 $0xFFFFE000  }
0x32: {  	_ =	sfence.sel $0x180000  }
0x33: {  	[bflag:$0x0] =	sbarrier.arrive $0xFFFF  }
0x34: {  	p0 =	sne.s32 s0, $0x0;
	_ =	strace $0x90000047  }
0x35: {  	s0 =	sadd.s32 @!p0 $0x100000, s1;
	[bflag:$0x2] =	sbarrier.arrive $0xFFFF  }
0x36: {  	[sflag:s0] =	ssyncadd.tile.s32 @!p0 $0x1;
	_ =	shalt  }
.Lfunc_end2:
_tile_overlayer_lowered:
.L_overlay_start_2:
0x37: {  	(tag) =	ssettag $0x2  }
0x38: {  	s0 =	rddreg [dreg:$0x0];
	s2 =	stileid.u32  }
0x39: {  	s1 =	rddreg [dreg:$0x1];
	p0 =	sne.s32 s2, $0x0  }
0x3a: {  	s3 =	rddreg [dreg:$0x2];
	[bflag:$0x3] =	sbarrier.arrive $0xFFFF;
	s2 =	simm.s32 @!p0 $0x1C05  }
0x3b: {  	[timem:s3], [sflag:s2] =	dma.local @!p0 [hbm:s0], s1  }
0x3c: {  	s0 =	simm.s32 @!p0 $0x5  }
0x3d: {  	_ =	swait.ge @!p0 [sflag:s0], s1  }
0x3e: {  	s1 =	ssub.s32 @!p0 $0x0, s1;
	[sflag:s0] =	ssyncset.done @!p0 $0x0  }
0x3f: {  	[sflag:s0] =	ssyncadd.s32 @!p0 s1  }
0x40: {  	[bflag:$0x3] =	sbarrier.arrive $0xFFFF  }
0x41: {  	_ =	shalt  }

// kernel: kernel.9.cloned.1.call-start
scs
__scs_entry_jumppad:
0x0: {  	(pc) =	sbr.rel $0x88, $3  }
0x1: {  	(tag) =	ssettag $0x0;
	lr =	simm.s32 $0x1  }
0x2: {  	[smem:$0x3F87] =	sst lr;
	_ =	strace $0xD0000000  }
0x3: {  	_ = 	snop  }
0x4: {  	_ = 	snop  }
0x5: {  	_ = 	snop  }
0x6: {  	_ = 	snop  }
0x7: {  	_ = 	snop  }
__scs_overlays_trampoline_lowered:
0x8: {  	[smem:$0x3F96] =	sst s0  }
0x9: {  	[smem:$0x3F97] =	sst s1  }
0xa: {  	[smem:$0x3F98] =	sst s2  }
0xb: {  	[smem:$0x3F99] =	sst s3  }
0xc: {  	[smem:$0x3F9A] =	sst s4  }
0xd: {  	[smem:$0x3F9B] =	sst s5  }
0xe: {  	[smem:$0x3F9C] =	sst s6  }
0xf: {  	[smem:$0x3F9D] =	sst s7  }
0x10: {  	[smem:$0x3F9E] =	sst s8  }
0x11: {  	[smem:$0x3F9F] =	sst s9;
	s0 =	simm.s32 @!p0 $0x0  }
0x12: {  	s1 =	sld [smem:$0x3F85];
	s0 =	simm.s32 @p0 $0x1  }
0x13: {  	[smem:$0x3FA0] =	sst s0;
	s0 =	simm.s32 @!p1 $0x0  }
0x14: {  	s2 =	sld [smem:$0x3F84];
	s0 =	simm.s32 @p1 $0x1  }
0x15: {  	[smem:$0x3FA1] =	sst s0;
	s0 =	simm.s32 @!p2 $0x0  }
0x16: {  	s3 =	sld [smem:$0x3FDB];
	s0 =	simm.s32 @p2 $0x1  }
0x17: {  	s4 =	simm.s32 $0x1BF5;
	[smem:$0x3FA3] =	sst s0  }
0x18: {  	s0 =	sld [smem:$0x3F86];
	_ =	swait.ge [sflag:s4], $0x0  }
0x19: {  	s7 =	sld [smem:$0x3F87]  }
0x1a: {  	s8 =	sadd.s32 $0xFFFFE003, lr  }
0x1b: {  	s9 =	sadd.s32 $0xFFFFFEF7, lr;
	s5 =	simm.s32 $0xFFFFFFFF;
	p2 =	slt.u32 s8, $0xFFFFF086  }
0x1c: {  	p1 =	slt.u32 s9, $0xF7A;
	s5 =	simm.s32 @!p2 $0x0  }
0x1d: {  	s5 =	simm.s32 @p1 $0x1;
	p0 =	seq.s32 s7, s2  }
0x1e: {  	s7 =	smul.u32 @!p0 $0xF7A, s2;
	p2 =	seq.s32 @!p0 s5, $0x0  }
0x1f: {  	s9 =	smul.u32 $0xF7A, s1;
	s8 =	simm.s32 @!p0 $0x1BF5;
	p2 =	por !p2, p0  }
0x20: {  	[sflag:s8] =	ssyncset.s32 @!p0 $0xFFFFF086;
	s6 =	sadd.s32 @!p0 s3, s7;
	s7 =	simm.s32 @!p0 $0x108  }
0x21: {  	s3 =	sadd.s32 s3, s9;
	s6 =	sadd.s32 @!p0 $0x88, s6;
	s7 =	simm.s32 @p2 $0x1082  }
0x22: {  	[simem:s7], [sflag:s8] =	dma.local @!p0 [hbm:s6], $0xF7A  }
0x23: {  	s9 =	sor.u32 $0xD0000000, s2;
	s6 =	simm.s32 $0x108;
	_ =	swait.ge @!p0 [sflag:s8], $0x0  }
0x24: {  	s3 =	sadd.s32 $0x88, s3;
	s6 =	simm.s32 @!p1 $0x1082;
	[sflag:s4] =	ssyncset.s32 $0xFFFFF086  }
0x25: {  	[simem:s6], [sflag:s4] =	dma.local [hbm:s3], $0xF7A  }
0x26: {  	[smem:$0x3F87] =	sst s1;
	(tag) =	ssettag s2;
	_ =	strace s9  }
0x27: {  	s1 =	sld [smem:$0x3F97]  }
0x28: {  	s2 =	sld [smem:$0x3F98]  }
0x29: {  	s4 =	sld [smem:$0x3F9A]  }
0x2a: {  	p0 =	seq.s32 s5, $0x0;
	s5 =	sld [smem:$0x3F9B]  }
0x2b: {  	s6 =	sld [smem:$0x3F9C]  }
0x2c: {  	s7 =	sld [smem:$0x3F9D]  }
0x2d: {  	s3 =	simm.s32 $0x108;
	s8 =	sld [smem:$0x3F9E]  }
0x2e: {  	s3 =	simm.s32 @!p0 $0x1082;
	s9 =	sld [smem:$0x3F9F]  }
0x2f: {  	lr =	sadd.s32 s0, s3;
	s0 =	sld [smem:$0x3F96]  }
0x30: {  	s3 =	sld [smem:$0x3F99]  }
0x31: {  	[smem:$0x3FA2] =	sst s10  }
0x32: {  	s10 =	sld [smem:$0x3FA0];
	_ =	sdelay $0x3  }
0x33: {  	p0 =	seq.s32 s10, $0x1;
	s10 =	sld [smem:$0x3FA2];
	_ =	sdelay $0x3  }
0x34: {  	[smem:$0x3FA2] =	sst s10  }
0x35: {  	s10 =	sld [smem:$0x3FA1];
	_ =	sdelay $0x3  }
0x36: {  	p1 =	seq.s32 s10, $0x1;
	s10 =	sld [smem:$0x3FA2];
	_ =	sdelay $0x3  }
0x37: {  	[smem:$0x3FA2] =	sst s10  }
0x38: {  	s10 =	sld [smem:$0x3FA3]  }
0x39: {  	_ = 	snop;
	(pc) =	sbr.ind lr, $3  }
0x3a: {  	_ = 	snop  }
0x3b: {  	_ = 	snop  }
0x3c: {  	p2 =	seq.s32 s10, $0x1;
	s10 =	sld [smem:$0x3FA2]  }
0x3d: {  	_ =	shalt  }
0x3e: {  	_ =	shalt  }
0x3f: {  	_ =	shalt  }
0x40: {  	_ =	shalt  }
0x41: {  	_ =	shalt  }
0x42: {  	_ =	shalt  }
0x43: {  	_ =	shalt  }
0x44: {  	_ =	shalt  }
0x45: {  	_ =	shalt  }
0x46: {  	_ =	shalt  }
0x47: {  	_ =	shalt  }
0x48: {  	_ =	shalt  }
0x49: {  	_ =	shalt  }
0x4a: {  	_ =	shalt  }
0x4b: {  	_ =	shalt  }
0x4c: {  	_ =	shalt  }
0x4d: {  	_ =	shalt  }
0x4e: {  	_ =	shalt  }
0x4f: {  	_ =	shalt  }
0x50: {  	_ =	shalt  }
0x51: {  	_ =	shalt  }
0x52: {  	_ =	shalt  }
0x53: {  	_ =	shalt  }
0x54: {  	_ =	shalt  }
0x55: {  	_ =	shalt  }
0x56: {  	_ =	shalt  }
0x57: {  	_ =	shalt  }
0x58: {  	_ =	shalt  }
0x59: {  	_ =	shalt  }
0x5a: {  	_ =	shalt  }
0x5b: {  	_ =	shalt  }
0x5c: {  	_ =	shalt  }
0x5d: {  	_ =	shalt  }
0x5e: {  	_ =	shalt  }
0x5f: {  	_ =	shalt  }
0x60: {  	_ =	shalt  }
0x61: {  	_ =	shalt  }
0x62: {  	_ =	shalt  }
0x63: {  	_ =	shalt  }
0x64: {  	_ =	shalt  }
0x65: {  	_ =	shalt  }
0x66: {  	_ =	shalt  }
0x67: {  	_ =	shalt  }
0x68: {  	_ =	shalt  }
0x69: {  	_ =	shalt  }
0x6a: {  	_ =	shalt  }
0x6b: {  	_ =	shalt  }
0x6c: {  	_ =	shalt  }
0x6d: {  	_ =	shalt  }
0x6e: {  	_ =	shalt  }
0x6f: {  	_ =	shalt  }
0x70: {  	_ =	shalt  }
0x71: {  	_ =	shalt  }
0x72: {  	_ =	shalt  }
0x73: {  	_ =	shalt  }
0x74: {  	_ =	shalt  }
0x75: {  	_ =	shalt  }
0x76: {  	_ =	shalt  }
0x77: {  	_ =	shalt  }
0x78: {  	_ =	shalt  }
0x79: {  	_ =	shalt  }
0x7a: {  	_ =	shalt  }
0x7b: {  	_ =	shalt  }
0x7c: {  	_ =	shalt  }
0x7d: {  	_ =	shalt  }
0x7e: {  	_ =	shalt  }
0x7f: {  	_ =	shalt  }
0x80: {  	_ =	shalt  }
0x81: {  	_ =	shalt  }
0x82: {  	_ =	shalt  }
0x83: {  	_ =	shalt  }
0x84: {  	_ =	shalt  }
0x85: {  	_ =	shalt  }
0x86: {  	_ =	shalt  }
0x87: {  	_ =	shalt  }
.Lfunc_end0:
.L_simem_size_0:
called_computation.1_lowered:
.L_overlay_start_0:
0x88: {  	s2 =	sld [smem:$0x3FD9]  }
0x89: {  	s3 =	sld [smem:$0x3FFE];
	_ =	sdelay $0x1  }
0x8a: {  	s1 =	srdreg.scid  }
0x8b: {  	s0 =	sand.u32 $0x1, s1  }
0x8c: {  	s17 =	sshll.u32 s0, $0xA;
	s2 =	sadd.s32 s3, s2  }
0x8d: {  	s2 =	sadd.s32 s2, s17  }
0x8e: {  	[smem:$0x3FAE] =	sst s2  }
0x8f: {  	_ = 	snop  }
0x90: {  	s18 =	sld [smem:$0x3FC5]  }
0x91: {  	s4 =	sld [smem:$0x3FD0];
	(tm) =	ssettm $0x1  }
0x92: {  	s19 =	sld [smem:$0x3FFB];
	_ =	sdelay $0x3  }
0x93: {  	_ =	strace s19  }
0x94: {  	s2 =	sld [smem:$0x3FFC];
	_ =	sdelay $0x3  }
0x95: {  	_ =	strace s2  }
0x96: {  	s2 =	sld [smem:$0x3FFD];
	_ =	sdelay $0x3  }
0x97: {  	_ =	strace s2  }
0x98: {  	_ =	strace $0x8FFFFFFF  }
0x99: {  	s20 =	sld [smem:$0x3FDB];
	_ =	sdelay $0x1  }
0x9a: {  	s5 =	simm.s32 $_scs_section_size  }
0x9b: {  	s6 =	simm.s32 $_size__tile_overlayer_lowered;
	s7 =	simm.s32 $_tile_overlayer_lowered  }
0x9c: {  	s8 =	simm.s32 $0x1BFF;
	s21 =	sshll.u32 s7, $0x1;
	s5 =	sadd.s32 s5, s20  }
0x9d: {  	s22 =	simm.s32 $0x0;
	s6 =	sshll.u32 s6, $0x1;
	s7 =	sadd.s32 s21, s5  }
0x9e: {  	[timem:s22], [sflag:s8] =	dma.local [hbm:s7], s6  }
0x9f: {  	_ =	swait.ge [sflag:s8], s6  }
0xa0: {  	s6 =	ssub.s32 $0x0, s6;
	[sflag:s8] =	ssyncset.done $0x0  }
0xa1: {  	[sflag:s8] =	ssyncadd.s32 s6;
	_ =	sdelay $0x1  }
0xa2: {  	s23 =	simm.s32 $0x1B8B  }
0xa3: {  	_ =	swait.ge [sflag:s23], $0x1  }
0xa4: {  	[sflag:s23] =	ssyncset.done $0x0  }
0xa5: {  	[sflag:s23] =	ssyncadd.s32 $0xFFFFFFFF  }
0xa6: {  	s6 =	sld [smem:$0x0]  }
0xa7: {  	s7 =	sand.u32 $0xFFFFFFFE, s1  }
0xa8: {  	p0 =	sne.s32 s1, s7  }
0xa9: {  	s7 =	sshll.u32 @p0 s7, $0xE  }
0xaa: {  	s7 =	sadd.s32 @p0 $0x11B8D, s7;
	s8 =	sshll.u32 @p0 s6, $0x11  }
0xab: {  	s7 =	sor.u32 @p0 s8, s7  }
0xac: {  	[sflag:s7] =	ssyncadd.remote.s32 @p0 $0x1;
	_ =	sdelay $0x1  }
0xad: {  	s7 =	simm.s32 @p0 $0x1B8D  }
0xae: {  	_ =	swait.eq @p0 [sflag:s7], $0x1  }
0xaf: {  	[sflag:s7] =	ssyncadd.s32 @p0 $0xFFFFFFFF  }
0xb0: {  	s8 =	sshll.u32 @!p0 s1, $0xE  }
0xb1: {  	s8 =	sor.u32 @!p0 $0x4000, s8;
	s7 =	simm.s32 @!p0 $0x1B8D  }
0xb2: {  	s6 =	sshll.u32 @!p0 s6, $0x11;
	s8 =	sadd.s32 @!p0 $0x11B8D, s8;
	_ =	swait.eq @!p0 [sflag:s7], $0x1  }
0xb3: {  	s6 =	sor.u32 @!p0 s6, s8;
	[sflag:s7] =	ssyncadd.s32 @!p0 $0xFFFFFFFF  }
0xb4: {  	s25 =	simm.s32 $0x1B8E;
	s24 =	sld [smem:$0x3FFE];
	[sflag:s6] =	ssyncadd.remote.s32 @!p0 $0x1  }
0xb5: {  	s26 =	simm.s32 $execute0_lowered;
	[smem:$0x3FD2] =	sst s25  }
0xb6: {  	s7 =	sshll.u32 s26, $0x1;
	_ =	strace $0x80000049;
	[dreg:$0x1] =	wrdreg $0xFFFFFFFF  }
0xb7: {  	s28 =	simm.s32 $_size_execute0_lowered;
	s5 =	sadd.s32 s5, s7;
	[dreg:$0x0] =	wrdreg $0x0  }
0xb8: {  	s7 =	sshll.u32 s28, $0x1;
	[dreg:$0x2] =	wrdreg s5  }
0xb9: {  	[dreg:$0x3] =	wrdreg s7  }
0xba: {  	[dreg:$0x4] =	wrdreg $0xC0  }
0xbb: {  	_ =	task [dreg:s22], $0x5FFFF  }
0xbc: {  	[dreg:$0x1] =	wrdreg $0xFFFFFFFF  }
0xbd: {  	[dreg:$0x0] =	wrdreg $0x60  }
0xbe: {  	[dreg:$0x2] =	wrdreg s24  }
0xbf: {  	[dreg:$0x3] =	wrdreg s18  }
0xc0: {  	[dreg:$0x4] =	wrdreg s4  }
0xc1: {  	[dreg:$0x5] =	wrdreg $0xA  }
0xc2: {  	_ =	task.clear_ibuf [dreg:s22], $0x6FFFF;
	_ =	strace $0x90000049  }
0xc3: {  	s29 =	simm.s32 $0xA;
	_ =	strace $0x8000004B  }
0xc4: {  	_ =	swait.ge [sflag:s29], $0x1  }
0xc5: {  	[sflag:s29] =	ssyncadd.s32 $0xFFFFFFFF  }
0xc6: {  	_ =	strace $0x9000004B  }
0xc7: {  	_ =	sfence  }
0xc8: {  	s30 =	sld [smem:$0x0];
	_ =	sdelay $0x2  }
0xc9: {  	s31 =	sshll.u32 s1, $0xD;
	s1 =	sshrl.u32 s1, $0x2  }
0xca: {  	s4 =	sand.u32 $0x4000, s31;
	s1 =	sadd.s32 s1, s30  }
0xcb: {  	s0 =	sor.u32 s4, s0;
	s1 =	sshll.u32 s1, $0x11  }
0xcc: {  	s0 =	sor.u32 s1, s0  }
0xcd: {  	s0 =	sadd.s32 $0x8F2B, s0  }
0xce: {  	[sflag:s0] =	ssyncadd.remote.s32 $0x1  }
0xcf: {  	_ =	sfence.sel $0xFFFF  }
0xd0: {  	[dreg:$0x0] =	wrdreg $0xFFFFFFFF;
	(pc) =	sbr.abs _section_cstart, $3  }
0xd1: {  	[dreg:$0x1] =	wrdreg $0xFFFFFFFF  }
0xd2: {  	_ =	task.clear_ibuf [dreg:s22], $0x2FFFF;
	_ =	strace $0x9FFFFFFF  }
0xd3: {  	(tm) =	ssettm $0x7FFFFFFF  }
tec
execute0_lowered:
.L_overlay_start_1:
0x0: {  	(tag) =	ssettag $0x1  }
0x1: {  	s5 =	rddreg [dreg:$0x0]  }
0x2: {  	s1 =	srdreg.scid;
	s3 =	rddreg [dreg:$0x1]  }
0x3: {  	s0 =	stileid.u32;
	s8 =	rddreg [dreg:$0x2];
	s6 =	sand.u32 $0x1, s1  }
0x4: {  	s2 =	simm.s32 $0x0;
	s4 =	sshll.u32 s0, $0xA;
	s7 =	sshll.u32 s6, $0x9  }
0x5: {  	[smem:$0x7FF] =	sst s2;
	s9 =	sor.u32 s7, s4  }
0x6: {  	s1 =	rddreg [dreg:$0x3];
	_ =	strace $0x8000004A;
	s4 =	sshrl.u32 s9, $0x3  }
0x7: {  	s10 =	ssub.s32 $0x2, s6;
	s4 =	sadd.s32 s3, s4;
	s3 =	simm.s32 $0x2  }
0x8: {  	[tilespmem:s2], [sflag:$0x2] =	stream.linear.gather [hbm4b:s4+s2], $0x200, $0x38;
	[tilespmem:$0x10200] =	vst v63  }
0x9: {  	s5 =	sadd.s32 $0x14E00, s5;
	s11 =	sshrl.u32 s10, $0x1;
	_ =	swait.ge [sflag:s3], $0x200  }
0xa: {  	s6 =	simm.s32 $0x200;
	s10 =	ssub.s32 s10, s11;
	[sflag:s3] =	ssyncset.done $0x0  }
0xb: {  	s7 =	simm.s32 $0x1;
	s31 =	smax.u32 s10, $0x1;
	[sflag:s3] =	ssyncadd.s32 $0xFFFFFE00  }
0xc: {  	[tilespmem:s6], [sflag:$0x1] =	stream.indirect.gather [hbm4b:s5+s6], $0x80, s2, s6, $0xb8;
	[tilespmem:$0x10200] =	vst v63  }
0xd: {  	p0 =	sne.s32 s31, $0x1;
	_ =	swait.ge [sflag:s7], $0x10000  }
.Ltmp0:
0xe: {  	s9 =	sshll.u32 s9, $0x4;
	[sflag:s7] =	ssyncset.done $0x0;
	(pc) =	sbr.rel @!p0 .LBB2_2-.Ltmp0, $4  }
0xf: {  	s8 =	sadd.s32 s8, s9;
	[sflag:s7] =	ssyncadd.s32 $0xFFFF0000  }
0x10: {  	[hbm4b:s8+s2] =	stream.linear.scatter [tilespmem:s6], [sflag:$0x2], $0x10000, $0x38;
	[tilespmem:$0x10200] =	vst v63  }
0x11: {  	_ =	swait.ge [sflag:s3], $0x10000  }
0x12: {  	s9 =	sadd.s32 $0xFFFFFFFF, s31;
	[sflag:s3] =	ssyncset.done $0x0  }
.LBB2_1:
0x13: {  	p0 =	sne.s32 s9, $0x1;
	s9 =	sadd.s32 $0xFFFFFFFF, s9;
	[sflag:s3] =	ssyncadd.s32 $0xFFFF0000  }
0x14: {  	[tilespmem:s2], [sflag:$0x2] =	stream.linear.gather [hbm4b:s4+s2], $0x200, $0x38;
	[tilespmem:$0x10200] =	vst v63  }
0x15: {  	_ =	swait.ge [sflag:s3], $0x200  }
0x16: {  	[sflag:s3] =	ssyncset.done $0x0  }
0x17: {  	[sflag:s3] =	ssyncadd.s32 $0xFFFFFE00  }
0x18: {  	[tilespmem:s6], [sflag:$0x1] =	stream.indirect.gather [hbm4b:s5+s6], $0x80, s2, s6, $0xb8;
	[tilespmem:$0x10200] =	vst v63  }
0x19: {  	_ =	swait.ge [sflag:s7], $0x10000  }
.Ltmp1:
0x1a: {  	[sflag:s7] =	ssyncset.done $0x0;
	(pc) =	sbr.rel @p0 .LBB2_1-.Ltmp1, $4  }
0x1b: {  	[sflag:s7] =	ssyncadd.s32 $0xFFFF0000  }
0x1c: {  	[hbm4b:s8+s2] =	stream.linear.scatter [tilespmem:s6], [sflag:$0x2], $0x10000, $0x38;
	[tilespmem:$0x10200] =	vst v63  }
0x1d: {  	_ =	swait.ge [sflag:s3], $0x10000  }
0x1e: {  	[sflag:s3] =	ssyncset.done $0x0  }
.LBB2_2:
0x1f: {  	[sflag:s3] =	ssyncadd.s32 $0xFFFF0000  }
0x20: {  	_ =	sfence.sel $0x180000  }
0x21: {  	[bflag:$0x0] =	sbarrier.arrive $0xFFFF  }
0x22: {  	p0 =	sne.s32 s0, $0x0;
	_ =	strace $0x9000004A  }
0x23: {  	s0 =	sadd.s32 @!p0 $0x100000, s1;
	[bflag:$0x2] =	sbarrier.arrive $0xFFFF  }
0x24: {  	[sflag:s0] =	ssyncadd.tile.s32 @!p0 $0x1;
	_ =	shalt  }
.Lfunc_end2:
_tile_overlayer_lowered:
.L_overlay_start_2:
0x25: {  	(tag) =	ssettag $0x2  }
0x26: {  	s0 =	rddreg [dreg:$0x0];
	s2 =	stileid.u32  }
0x27: {  	s1 =	rddreg [dreg:$0x1];
	p0 =	sne.s32 s2, $0x0  }
0x28: {  	s3 =	rddreg [dreg:$0x2];
	[bflag:$0x3] =	sbarrier.arrive $0xFFFF;
	s2 =	simm.s32 @!p0 $0x1C02  }
0x29: {  	[timem:s3], [sflag:s2] =	dma.local @!p0 [hbm:s0], s1  }
0x2a: {  	s0 =	simm.s32 @!p0 $0x2  }
0x2b: {  	_ =	swait.ge @!p0 [sflag:s0], s1  }
0x2c: {  	s1 =	ssub.s32 @!p0 $0x0, s1;
	[sflag:s0] =	ssyncset.done @!p0 $0x0  }
0x2d: {  	[sflag:s0] =	ssyncadd.s32 @!p0 s1  }
0x2e: {  	[bflag:$0x3] =	sbarrier.arrive $0xFFFF  }
0x2f: {  	_ =	shalt  }

</sc_bundles>
